<compile_context>
chip_gen: v7x
topology: tpu7x:2x2x1
jax: 0.10.2.dev20260603
libtpu: 0.0.44.dev20260713+nightly
codegen_flags: <defaults>
</compile_context>

<pallas_src>
import functools

import jax
import jax.numpy as jnp
from jax import lax
from jax.experimental import pallas as pl
from jax.experimental.pallas import tpu as pltpu
from jax.experimental.pallas import tpu_sc as plsc

B, S, D = 16384, 100, 64
NC, NS, L = 2, 16, 16
NW = NC * NS
NQ = S * D
QPW = NQ // NW
CPR = 2
NCH = QPW // CPR
NBUF = 3
MAIN = (NCH // NBUF) * NBUF


def _make_sc_add():
    mesh = plsc.VectorSubcoreMesh(
        core_axis_name="c", subcore_axis_name="s", num_cores=NC, num_subcores=NS
    )

    @functools.partial(
        pl.kernel,
        mesh=mesh,
        out_type=jax.ShapeDtypeStruct((S, D, B), jnp.float32),
        scratch_types=[
            pltpu.VMEM((QPW, L), jnp.float32),
            pltpu.VMEM((CPR, B), jnp.float32),
            pltpu.VMEM((CPR, B), jnp.float32),
            pltpu.VMEM((CPR, B), jnp.float32),
            pltpu.SemaphoreType.DMA,
            pltpu.SemaphoreType.DMA,
            pltpu.SemaphoreType.DMA,
            pltpu.SemaphoreType.DMA,
            pltpu.SemaphoreType.DMA,
            pltpu.SemaphoreType.DMA,
        ],
    )
    def k(
        tok_hbm, emb16_hbm, out_hbm,
        emb_v, b0, b1, b2,
        is0, is1, is2, os0, os1, os2,
    ):
        bufs = [b0, b1, b2]
        isems = [is0, is1, is2]
        osems = [os0, os1, os2]
        wid = lax.axis_index("s") * NC + lax.axis_index("c")
        q0 = wid * QPW
        pltpu.sync_copy(emb16_hbm.at[pl.ds(q0, QPW), :], emb_v)

        def in_copy(g, b):
            r = q0 + g * CPR
            return pltpu.make_async_copy(
                tok_hbm.at[r // D, pl.ds(r % D, CPR), :], bufs[b], isems[b]
            )

        def out_copy(g, b):
            r = q0 + g * CPR
            return pltpu.make_async_copy(
                bufs[b], out_hbm.at[r // D, pl.ds(r % D, CPR), :], osems[b]
            )

        def process(g, b):
            in_copy(g, b).wait()

            @pl.when(g >= NBUF - 1)
            def _():
                out_copy(g - (NBUF - 1), (b + 1) % NBUF).wait()

            @pl.when(g + 1 < NCH)
            def _():
                in_copy(g + 1, (b + 1) % NBUF).start()

            for kk in range(CPR):
                ev = emb_v[g * CPR + kk, :]

                @plsc.parallel_loop(0, B // L, unroll=8)
                def _(i):
                    col = pl.multiple_of(i * L, L)
                    bufs[b][kk, pl.ds(col, L)] = bufs[b][kk, pl.ds(col, L)] + ev

            out_copy(g, b).start()

        in_copy(0, 0).start()

        def step(m, carry):
            for b in range(NBUF):
                process(m * NBUF + b, b)
            return carry

        lax.fori_loop(0, MAIN // NBUF, step, 0)

        for g in range(MAIN, NCH):
            process(g, g % NBUF)

        for g in range(NCH - (NBUF - 1), NCH):
            out_copy(g, g % NBUF).wait()

    return k


_sc_add = _make_sc_add()


def kernel(tokens, id_embedding):
    tok_t = jnp.transpose(tokens, (1, 2, 0))
    emb16 = jnp.broadcast_to(
        id_embedding.reshape(S * D, 1), (S * D, L)
    )
    out_t = _sc_add(tok_t, emb16)
    return jnp.transpose(out_t, (2, 0, 1))

# --- scband reference (transcript-rebuilt; emitter-appended) ---
"""Pipeline reference for scband-feature-tokenizer-85796266705407 (READ-ONLY COPY).

The authoritative reference and input builder live on the scoring server;
editing this copy changes nothing except your own understanding.
"""

import jax, jax.numpy as jnp
import numpy as np

NUM_SENSORS = 100
EMBED_DIM = 64
BATCH = 16384
SEQ = 100


def setup_inputs(seed: int = 0) -> dict:
    key = jax.random.key(seed)
    k1, k2 = jax.random.split(key)
    tokens = jax.random.normal(k1, (BATCH, SEQ, EMBED_DIM), dtype=jnp.float32)
    # nn.Embedding default init: N(0, 1)
    id_embedding = jax.random.normal(k2, (NUM_SENSORS, EMBED_DIM), dtype=jnp.float32)
    return {"tokens": tokens, "id_embedding": id_embedding}


def reference(tokens, id_embedding):
    b, s, d = tokens.shape
    sensor_ids = jnp.arange(s)
    pos = jnp.take(id_embedding, sensor_ids, axis=0)  # [S, D] embedding gather
    return tokens + pos[None, :, :]

if __name__ == "__main__":
    import jax
    _d = setup_inputs()
    print(jax.jit(kernel)(*tuple(_d.values())))

</pallas_src>

<mosaic_0001>
#map = affine_map<(d0, d1) -> (0, 0, 0)>
#map1 = affine_map<(d0, d1) -> (0, 0)>
module attributes {stable_mosaic.version = 14 : i64} {
  func.func @k(%arg0: i32, %arg1: i32, %arg2: memref<100x64x16384xf32, #tpu.memory_space<hbm>>, %arg3: memref<6400x16xf32, #tpu.memory_space<hbm>>, %arg4: memref<100x64x16384xf32, #tpu.memory_space<hbm>>, %arg5: memref<200x16xf32, #tpu.memory_space<vmem>>, %arg6: memref<2x16384xf32, #tpu.memory_space<vmem>>, %arg7: memref<2x16384xf32, #tpu.memory_space<vmem>>, %arg8: memref<2x16384xf32, #tpu.memory_space<vmem>>, %arg9: memref<!tpu.dma_semaphore, #tpu.memory_space<semaphore_mem>>, %arg10: memref<!tpu.dma_semaphore, #tpu.memory_space<semaphore_mem>>, %arg11: memref<!tpu.dma_semaphore, #tpu.memory_space<semaphore_mem>>, %arg12: memref<!tpu.dma_semaphore, #tpu.memory_space<semaphore_mem>>, %arg13: memref<!tpu.dma_semaphore, #tpu.memory_space<semaphore_mem>>, %arg14: memref<!tpu.dma_semaphore, #tpu.memory_space<semaphore_mem>>) attributes {dimension_semantics = [#tpu.dimension_semantics<core_parallel>, #tpu.dimension_semantics<subcore_parallel>], iteration_bounds = array<i64: 2, 16>, scalar_prefetch = 0 : i64, scratch_operands = 10 : i64, tpu.core_type = #tpu.core_type<sc_vector_subcore>, window_params = [{transform_indices = #map}, {transform_indices = #map1}, {transform_indices = #map}]} {
    %mul3A = arith.constant 2 : i32
    %mul3A_0 = arith.muli %arg1, %mul3A : i32
    %add3A = arith.addi %mul3A_0, %arg0 : i32
    %mul3A_1 = arith.constant 200 : i32
    %mul3A_2 = arith.muli %add3A, %mul3A_1 : i32
    "tpu.region"() ({
      %run_scoped3A = tpu.sem_alloc : memref<!tpu.dma_semaphore, #tpu.memory_space<semaphore_mem>>
      %dma_start3A_298 = arith.constant 0 : i32
      %dma_start3A_299 = tpu.memref_slice %arg3[%mul3A_2, %dma_start3A_298] : memref<6400x16xf32, #tpu.memory_space<hbm>> -> memref<200x16xf32, #tpu.memory_space<hbm>>
      %dma_start3A_300 = arith.constant 0 : i32
      %dma_start3A_301 = tpu.memref_slice %arg3[%mul3A_2, %dma_start3A_300] : memref<6400x16xf32, #tpu.memory_space<hbm>> -> memref<200x16xf32, #tpu.memory_space<hbm>>
      tpu.enqueue_dma source(%dma_start3A_301 : memref<200x16xf32, #tpu.memory_space<hbm>>) target(%arg5 : memref<200x16xf32, #tpu.memory_space<vmem>>) target_semaphore(%run_scoped3A : memref<!tpu.dma_semaphore, #tpu.memory_space<semaphore_mem>>)
      %dma_wait3A_302 = arith.constant 0 : i32
      %dma_wait3A_303 = tpu.memref_slice %arg3[%mul3A_2, %dma_wait3A_302] : memref<6400x16xf32, #tpu.memory_space<hbm>> -> memref<200x16xf32, #tpu.memory_space<hbm>>
      %dma_wait3A_304 = arith.constant 0 : i32
      %dma_wait3A_305 = tpu.memref_slice %arg3[%mul3A_2, %dma_wait3A_304] : memref<6400x16xf32, #tpu.memory_space<hbm>> -> memref<200x16xf32, #tpu.memory_space<hbm>>
      tpu.wait_dma2 semaphore(%run_scoped3A : memref<!tpu.dma_semaphore, #tpu.memory_space<semaphore_mem>>) src(%dma_wait3A_305 : memref<200x16xf32, #tpu.memory_space<hbm>>) dst(%arg5 : memref<200x16xf32, #tpu.memory_space<vmem>>)
      tpu.yield
    }) : () -> ()
    %add3A_3 = arith.constant 0 : i32
    %add3A_4 = arith.addi %mul3A_2, %add3A_3 : i32
    %jit3A = arith.constant 64 : i32
    %div3A = arith.divsi %add3A_4, %jit3A : i32
    %sign3A = arith.constant 0 : i32
    %sign3A_5 = arith.cmpi sgt, %add3A_4, %sign3A : i32
    %sign3A_6 = arith.extui %sign3A_5 : i1 to i32
    %sign3A_7 = arith.constant 0 : i32
    %sign3A_8 = arith.cmpi slt, %add3A_4, %sign3A_7 : i32
    %sign3A_9 = arith.extui %sign3A_8 : i1 to i32
    %sign3A_10 = arith.subi %sign3A_6, %sign3A_9 : i32
    %sign3A_11 = arith.constant 0 : i32
    %sign3A_12 = arith.cmpi sgt, %jit3A, %sign3A_11 : i32
    %sign3A_13 = arith.extui %sign3A_12 : i1 to i32
    %sign3A_14 = arith.constant 0 : i32
    %sign3A_15 = arith.cmpi slt, %jit3A, %sign3A_14 : i32
    %sign3A_16 = arith.extui %sign3A_15 : i1 to i32
    %sign3A_17 = arith.subi %sign3A_13, %sign3A_16 : i32
    %ne3A = arith.cmpi ne, %sign3A_10, %sign3A_17 : i32
    %rem3A = arith.remsi %add3A_4, %jit3A : i32
    %ne3A_18 = arith.constant 0 : i32
    %ne3A_19 = arith.cmpi ne, %rem3A, %ne3A_18 : i32
    %and3A = arith.andi %ne3A, %ne3A_19 : i1
    %sub3A = arith.constant 1 : i32
    %sub3A_20 = arith.subi %div3A, %sub3A : i32
    %select_n3A = arith.select %and3A, %sub3A_20, %div3A : i32
    %jit3A_21 = arith.constant 64 : i32
    %eq3A = arith.constant 0 : i32
    %eq3A_22 = arith.cmpi eq, %jit3A_21, %eq3A : i32
    %jit3A_23 = arith.constant 1 : i32
    %select_n3A_24 = arith.select %eq3A_22, %jit3A_23, %jit3A_21 : i32
    %rem3A_25 = arith.remsi %add3A_4, %select_n3A_24 : i32
    %ne3A_26 = arith.constant 0 : i32
    %ne3A_27 = arith.cmpi ne, %rem3A_25, %ne3A_26 : i32
    %lt3A = arith.constant 0 : i32
    %lt3A_28 = arith.cmpi slt, %rem3A_25, %lt3A : i32
    %lt3A_29 = arith.constant 0 : i32
    %lt3A_30 = arith.cmpi slt, %select_n3A_24, %lt3A_29 : i32
    %ne3A_31 = arith.xori %lt3A_28, %lt3A_30 : i1
    %and3A_32 = arith.andi %ne3A_31, %ne3A_27 : i1
    %add3A_33 = arith.addi %rem3A_25, %select_n3A_24 : i32
    %select_n3A_34 = arith.select %and3A_32, %add3A_33, %rem3A_25 : i32
    %dma_start3A = arith.constant 0 : i32
    %dma_start3A_35 = tpu.memref_slice %arg2[%select_n3A, %select_n3A_34, %dma_start3A] : memref<100x64x16384xf32, #tpu.memory_space<hbm>> -> memref<1x2x16384xf32, #tpu.memory_space<hbm>>
    %dma_start3A_36 = tpu.memref_squeeze %dma_start3A_35 : memref<1x2x16384xf32, #tpu.memory_space<hbm>> -> memref<2x16384xf32, #tpu.memory_space<hbm>>
    %dma_start3A_37 = arith.constant 0 : i32
    %dma_start3A_38 = tpu.memref_slice %arg2[%select_n3A, %select_n3A_34, %dma_start3A_37] : memref<100x64x16384xf32, #tpu.memory_space<hbm>> -> memref<1x2x16384xf32, #tpu.memory_space<hbm>>
    %dma_start3A_39 = tpu.memref_squeeze %dma_start3A_38 : memref<1x2x16384xf32, #tpu.memory_space<hbm>> -> memref<2x16384xf32, #tpu.memory_space<hbm>>
    tpu.enqueue_dma source(%dma_start3A_39 : memref<2x16384xf32, #tpu.memory_space<hbm>>) target(%arg6 : memref<2x16384xf32, #tpu.memory_space<vmem>>) target_semaphore(%arg9 : memref<!tpu.dma_semaphore, #tpu.memory_space<semaphore_mem>>)
    %scan3A = arith.constant 0 : i32
    %scan3A_40 = arith.constant 0 : i32
    %scan3A_41 = arith.constant 33 : i32
    %scan3A_42 = arith.addi %scan3A_40, %scan3A_41 : i32
    %scan3A_43 = arith.constant 1 : i32
    scf.for %scan3A_298 = %scan3A_40 to %scan3A_42 step %scan3A_43  : i32 {
      %mul3A_299 = arith.constant 3 : i32
      %mul3A_300 = arith.muli %scan3A_298, %mul3A_299 : i32
      %add3A_301 = arith.constant 0 : i32
      %add3A_302 = arith.addi %mul3A_300, %add3A_301 : i32
      %mul3A_303 = arith.constant 2 : i32
      %mul3A_304 = arith.muli %add3A_302, %mul3A_303 : i32
      %add3A_305 = arith.addi %mul3A_2, %mul3A_304 : i32
      %jit3A_306 = arith.constant 64 : i32
      %div3A_307 = arith.divsi %add3A_305, %jit3A_306 : i32
      %sign3A_308 = arith.constant 0 : i32
      %sign3A_309 = arith.cmpi sgt, %add3A_305, %sign3A_308 : i32
      %sign3A_310 = arith.extui %sign3A_309 : i1 to i32
      %sign3A_311 = arith.constant 0 : i32
      %sign3A_312 = arith.cmpi slt, %add3A_305, %sign3A_311 : i32
      %sign3A_313 = arith.extui %sign3A_312 : i1 to i32
      %sign3A_314 = arith.subi %sign3A_310, %sign3A_313 : i32
      %sign3A_315 = arith.constant 0 : i32
      %sign3A_316 = arith.cmpi sgt, %jit3A_306, %sign3A_315 : i32
      %sign3A_317 = arith.extui %sign3A_316 : i1 to i32
      %sign3A_318 = arith.constant 0 : i32
      %sign3A_319 = arith.cmpi slt, %jit3A_306, %sign3A_318 : i32
      %sign3A_320 = arith.extui %sign3A_319 : i1 to i32
      %sign3A_321 = arith.subi %sign3A_317, %sign3A_320 : i32
      %ne3A_322 = arith.cmpi ne, %sign3A_314, %sign3A_321 : i32
      %rem3A_323 = arith.remsi %add3A_305, %jit3A_306 : i32
      %ne3A_324 = arith.constant 0 : i32
      %ne3A_325 = arith.cmpi ne, %rem3A_323, %ne3A_324 : i32
      %and3A_326 = arith.andi %ne3A_322, %ne3A_325 : i1
      %sub3A_327 = arith.constant 1 : i32
      %sub3A_328 = arith.subi %div3A_307, %sub3A_327 : i32
      %select_n3A_329 = arith.select %and3A_326, %sub3A_328, %div3A_307 : i32
      %jit3A_330 = arith.constant 64 : i32
      %eq3A_331 = arith.constant 0 : i32
      %eq3A_332 = arith.cmpi eq, %jit3A_330, %eq3A_331 : i32
      %jit3A_333 = arith.constant 1 : i32
      %select_n3A_334 = arith.select %eq3A_332, %jit3A_333, %jit3A_330 : i32
      %rem3A_335 = arith.remsi %add3A_305, %select_n3A_334 : i32
      %ne3A_336 = arith.constant 0 : i32
      %ne3A_337 = arith.cmpi ne, %rem3A_335, %ne3A_336 : i32
      %lt3A_338 = arith.constant 0 : i32
      %lt3A_339 = arith.cmpi slt, %rem3A_335, %lt3A_338 : i32
      %lt3A_340 = arith.constant 0 : i32
      %lt3A_341 = arith.cmpi slt, %select_n3A_334, %lt3A_340 : i32
      %ne3A_342 = arith.xori %lt3A_339, %lt3A_341 : i1
      %and3A_343 = arith.andi %ne3A_342, %ne3A_337 : i1
      %add3A_344 = arith.addi %rem3A_335, %select_n3A_334 : i32
      %select_n3A_345 = arith.select %and3A_343, %add3A_344, %rem3A_335 : i32
      %dma_wait3A_346 = arith.constant 0 : i32
      %dma_wait3A_347 = tpu.memref_slice %arg2[%select_n3A_329, %select_n3A_345, %dma_wait3A_346] : memref<100x64x16384xf32, #tpu.memory_space<hbm>> -> memref<1x2x16384xf32, #tpu.memory_space<hbm>>
      %dma_wait3A_348 = tpu.memref_squeeze %dma_wait3A_347 : memref<1x2x16384xf32, #tpu.memory_space<hbm>> -> memref<2x16384xf32, #tpu.memory_space<hbm>>
      %dma_wait3A_349 = arith.constant 0 : i32
      %dma_wait3A_350 = tpu.memref_slice %arg2[%select_n3A_329, %select_n3A_345, %dma_wait3A_349] : memref<100x64x16384xf32, #tpu.memory_space<hbm>> -> memref<1x2x16384xf32, #tpu.memory_space<hbm>>
      %dma_wait3A_351 = tpu.memref_squeeze %dma_wait3A_350 : memref<1x2x16384xf32, #tpu.memory_space<hbm>> -> memref<2x16384xf32, #tpu.memory_space<hbm>>
      tpu.wait_dma2 semaphore(%arg9 : memref<!tpu.dma_semaphore, #tpu.memory_space<semaphore_mem>>) src(%dma_wait3A_351 : memref<2x16384xf32, #tpu.memory_space<hbm>>) dst(%arg6 : memref<2x16384xf32, #tpu.memory_space<vmem>>)
      %ge3A = arith.constant 2 : i32
      %ge3A_352 = arith.cmpi sge, %add3A_302, %ge3A : i32
      %convert_element_type3A = arith.extui %ge3A_352 : i1 to i32
      %cond3A = arith.constant 0 : i32
      %cond3A_353 = arith.cmpi ne, %convert_element_type3A, %cond3A : i32
      scf.if %cond3A_353 {
        %sub3A_704 = arith.constant 2 : i32
        %sub3A_705 = arith.subi %add3A_302, %sub3A_704 : i32
        %mul3A_706 = arith.constant 2 : i32
        %mul3A_707 = arith.muli %sub3A_705, %mul3A_706 : i32
        %add3A_708 = arith.addi %mul3A_2, %mul3A_707 : i32
        %jit3A_709 = arith.constant 64 : i32
        %div3A_710 = arith.divsi %add3A_708, %jit3A_709 : i32
        %sign3A_711 = arith.constant 0 : i32
        %sign3A_712 = arith.cmpi sgt, %add3A_708, %sign3A_711 : i32
        %sign3A_713 = arith.extui %sign3A_712 : i1 to i32
        %sign3A_714 = arith.constant 0 : i32
        %sign3A_715 = arith.cmpi slt, %add3A_708, %sign3A_714 : i32
        %sign3A_716 = arith.extui %sign3A_715 : i1 to i32
        %sign3A_717 = arith.subi %sign3A_713, %sign3A_716 : i32
        %sign3A_718 = arith.constant 0 : i32
        %sign3A_719 = arith.cmpi sgt, %jit3A_709, %sign3A_718 : i32
        %sign3A_720 = arith.extui %sign3A_719 : i1 to i32
        %sign3A_721 = arith.constant 0 : i32
        %sign3A_722 = arith.cmpi slt, %jit3A_709, %sign3A_721 : i32
        %sign3A_723 = arith.extui %sign3A_722 : i1 to i32
        %sign3A_724 = arith.subi %sign3A_720, %sign3A_723 : i32
        %ne3A_725 = arith.cmpi ne, %sign3A_717, %sign3A_724 : i32
        %rem3A_726 = arith.remsi %add3A_708, %jit3A_709 : i32
        %ne3A_727 = arith.constant 0 : i32
        %ne3A_728 = arith.cmpi ne, %rem3A_726, %ne3A_727 : i32
        %and3A_729 = arith.andi %ne3A_725, %ne3A_728 : i1
        %sub3A_730 = arith.constant 1 : i32
        %sub3A_731 = arith.subi %div3A_710, %sub3A_730 : i32
        %select_n3A_732 = arith.select %and3A_729, %sub3A_731, %div3A_710 : i32
        %jit3A_733 = arith.constant 64 : i32
        %eq3A_734 = arith.constant 0 : i32
        %eq3A_735 = arith.cmpi eq, %jit3A_733, %eq3A_734 : i32
        %jit3A_736 = arith.constant 1 : i32
        %select_n3A_737 = arith.select %eq3A_735, %jit3A_736, %jit3A_733 : i32
        %rem3A_738 = arith.remsi %add3A_708, %select_n3A_737 : i32
        %ne3A_739 = arith.constant 0 : i32
        %ne3A_740 = arith.cmpi ne, %rem3A_738, %ne3A_739 : i32
        %lt3A_741 = arith.constant 0 : i32
        %lt3A_742 = arith.cmpi slt, %rem3A_738, %lt3A_741 : i32
        %lt3A_743 = arith.constant 0 : i32
        %lt3A_744 = arith.cmpi slt, %select_n3A_737, %lt3A_743 : i32
        %ne3A_745 = arith.xori %lt3A_742, %lt3A_744 : i1
        %and3A_746 = arith.andi %ne3A_745, %ne3A_740 : i1
        %add3A_747 = arith.addi %rem3A_738, %select_n3A_737 : i32
        %select_n3A_748 = arith.select %and3A_746, %add3A_747, %rem3A_738 : i32
        %dma_wait3A_749 = arith.constant 0 : i32
        %dma_wait3A_750 = tpu.memref_slice %arg4[%select_n3A_732, %select_n3A_748, %dma_wait3A_749] : memref<100x64x16384xf32, #tpu.memory_space<hbm>> -> memref<1x2x16384xf32, #tpu.memory_space<hbm>>
        %dma_wait3A_751 = tpu.memref_squeeze %dma_wait3A_750 : memref<1x2x16384xf32, #tpu.memory_space<hbm>> -> memref<2x16384xf32, #tpu.memory_space<hbm>>
        %dma_wait3A_752 = arith.constant 0 : i32
        %dma_wait3A_753 = tpu.memref_slice %arg4[%select_n3A_732, %select_n3A_748, %dma_wait3A_752] : memref<100x64x16384xf32, #tpu.memory_space<hbm>> -> memref<1x2x16384xf32, #tpu.memory_space<hbm>>
        %dma_wait3A_754 = tpu.memref_squeeze %dma_wait3A_753 : memref<1x2x16384xf32, #tpu.memory_space<hbm>> -> memref<2x16384xf32, #tpu.memory_space<hbm>>
        tpu.wait_dma2 semaphore(%arg13 : memref<!tpu.dma_semaphore, #tpu.memory_space<semaphore_mem>>) src(%arg7 : memref<2x16384xf32, #tpu.memory_space<vmem>>) dst(%dma_wait3A_754 : memref<2x16384xf32, #tpu.memory_space<hbm>>)
      } else {
      }
      %add3A_354 = arith.constant 1 : i32
      %add3A_355 = arith.addi %add3A_302, %add3A_354 : i32
      %lt3A_356 = arith.constant 100 : i32
      %lt3A_357 = arith.cmpi slt, %add3A_355, %lt3A_356 : i32
      %convert_element_type3A_358 = arith.extui %lt3A_357 : i1 to i32
      %cond3A_359 = arith.constant 0 : i32
      %cond3A_360 = arith.cmpi ne, %convert_element_type3A_358, %cond3A_359 : i32
      scf.if %cond3A_360 {
        %add3A_704 = arith.constant 1 : i32
        %add3A_705 = arith.addi %add3A_302, %add3A_704 : i32
        %mul3A_706 = arith.constant 2 : i32
        %mul3A_707 = arith.muli %add3A_705, %mul3A_706 : i32
        %add3A_708 = arith.addi %mul3A_2, %mul3A_707 : i32
        %jit3A_709 = arith.constant 64 : i32
        %div3A_710 = arith.divsi %add3A_708, %jit3A_709 : i32
        %sign3A_711 = arith.constant 0 : i32
        %sign3A_712 = arith.cmpi sgt, %add3A_708, %sign3A_711 : i32
        %sign3A_713 = arith.extui %sign3A_712 : i1 to i32
        %sign3A_714 = arith.constant 0 : i32
        %sign3A_715 = arith.cmpi slt, %add3A_708, %sign3A_714 : i32
        %sign3A_716 = arith.extui %sign3A_715 : i1 to i32
        %sign3A_717 = arith.subi %sign3A_713, %sign3A_716 : i32
        %sign3A_718 = arith.constant 0 : i32
        %sign3A_719 = arith.cmpi sgt, %jit3A_709, %sign3A_718 : i32
        %sign3A_720 = arith.extui %sign3A_719 : i1 to i32
        %sign3A_721 = arith.constant 0 : i32
        %sign3A_722 = arith.cmpi slt, %jit3A_709, %sign3A_721 : i32
        %sign3A_723 = arith.extui %sign3A_722 : i1 to i32
        %sign3A_724 = arith.subi %sign3A_720, %sign3A_723 : i32
        %ne3A_725 = arith.cmpi ne, %sign3A_717, %sign3A_724 : i32
        %rem3A_726 = arith.remsi %add3A_708, %jit3A_709 : i32
        %ne3A_727 = arith.constant 0 : i32
        %ne3A_728 = arith.cmpi ne, %rem3A_726, %ne3A_727 : i32
        %and3A_729 = arith.andi %ne3A_725, %ne3A_728 : i1
        %sub3A_730 = arith.constant 1 : i32
        %sub3A_731 = arith.subi %div3A_710, %sub3A_730 : i32
        %select_n3A_732 = arith.select %and3A_729, %sub3A_731, %div3A_710 : i32
        %jit3A_733 = arith.constant 64 : i32
        %eq3A_734 = arith.constant 0 : i32
        %eq3A_735 = arith.cmpi eq, %jit3A_733, %eq3A_734 : i32
        %jit3A_736 = arith.constant 1 : i32
        %select_n3A_737 = arith.select %eq3A_735, %jit3A_736, %jit3A_733 : i32
        %rem3A_738 = arith.remsi %add3A_708, %select_n3A_737 : i32
        %ne3A_739 = arith.constant 0 : i32
        %ne3A_740 = arith.cmpi ne, %rem3A_738, %ne3A_739 : i32
        %lt3A_741 = arith.constant 0 : i32
        %lt3A_742 = arith.cmpi slt, %rem3A_738, %lt3A_741 : i32
        %lt3A_743 = arith.constant 0 : i32
        %lt3A_744 = arith.cmpi slt, %select_n3A_737, %lt3A_743 : i32
        %ne3A_745 = arith.xori %lt3A_742, %lt3A_744 : i1
        %and3A_746 = arith.andi %ne3A_745, %ne3A_740 : i1
        %add3A_747 = arith.addi %rem3A_738, %select_n3A_737 : i32
        %select_n3A_748 = arith.select %and3A_746, %add3A_747, %rem3A_738 : i32
        %dma_start3A_749 = arith.constant 0 : i32
        %dma_start3A_750 = tpu.memref_slice %arg2[%select_n3A_732, %select_n3A_748, %dma_start3A_749] : memref<100x64x16384xf32, #tpu.memory_space<hbm>> -> memref<1x2x16384xf32, #tpu.memory_space<hbm>>
        %dma_start3A_751 = tpu.memref_squeeze %dma_start3A_750 : memref<1x2x16384xf32, #tpu.memory_space<hbm>> -> memref<2x16384xf32, #tpu.memory_space<hbm>>
        %dma_start3A_752 = arith.constant 0 : i32
        %dma_start3A_753 = tpu.memref_slice %arg2[%select_n3A_732, %select_n3A_748, %dma_start3A_752] : memref<100x64x16384xf32, #tpu.memory_space<hbm>> -> memref<1x2x16384xf32, #tpu.memory_space<hbm>>
        %dma_start3A_754 = tpu.memref_squeeze %dma_start3A_753 : memref<1x2x16384xf32, #tpu.memory_space<hbm>> -> memref<2x16384xf32, #tpu.memory_space<hbm>>
        tpu.enqueue_dma source(%dma_start3A_754 : memref<2x16384xf32, #tpu.memory_space<hbm>>) target(%arg7 : memref<2x16384xf32, #tpu.memory_space<vmem>>) target_semaphore(%arg10 : memref<!tpu.dma_semaphore, #tpu.memory_space<semaphore_mem>>)
      } else {
      }
      %mul3A_361 = arith.constant 2 : i32
      %mul3A_362 = arith.muli %add3A_302, %mul3A_361 : i32
      %add3A_363 = arith.constant 0 : i32
      %add3A_364 = arith.addi %mul3A_362, %add3A_363 : i32
      %get3A_365 = arith.index_cast %add3A_364 : i32 to index
      %get3A_366 = arith.constant 0 : index
      %get3A_367 = tpu.vector_load %arg5[%get3A_365, %get3A_366] {strides = array<i32>} : memref<200x16xf32, #tpu.memory_space<vmem>>, vector<1x16xf32>,
      %get3A_368 = vector.shape_cast %get3A_367 : vector<1x16xf32> to vector<16xf32>
      %parallel_loop3A_369 = arith.constant 0 : i32
      %parallel_loop3A_370 = arith.constant 1024 : i32
      %parallel_loop3A_371 = arith.constant 1 : i32
      scf.for %parallel_loop3A_704 = %parallel_loop3A_369 to %parallel_loop3A_370 step %parallel_loop3A_371  : i32 {
        %parallel_loop3A_705 = arith.constant 16 : i32
        %parallel_loop3A_706 = arith.muli %parallel_loop3A_704, %parallel_loop3A_705 : i32
        %parallel_loop3A_707 = tpu.assume_multiple %parallel_loop3A_706, 16 : i32
        %parallel_loop3A_708 = arith.constant 0 : i32
        %parallel_loop3A_709 = arith.index_cast %parallel_loop3A_708 : i32 to index
        %parallel_loop3A_710 = arith.index_cast %parallel_loop3A_707 : i32 to index
        %parallel_loop3A_711 = tpu.vector_load %arg6[%parallel_loop3A_709, %parallel_loop3A_710] {strides = array<i32>} : memref<2x16384xf32, #tpu.memory_space<vmem>>, vector<1x16xf32>,
        %parallel_loop3A_712 = vector.shape_cast %parallel_loop3A_711 : vector<1x16xf32> to vector<16xf32>
        %parallel_loop3A_713 = arith.addf %parallel_loop3A_712, %get3A_368 : vector<16xf32>
        %parallel_loop3A_714 = arith.constant 0 : i32
        %parallel_loop3A_715 = arith.index_cast %parallel_loop3A_714 : i32 to index
        %parallel_loop3A_716 = arith.index_cast %parallel_loop3A_707 : i32 to index
        %parallel_loop3A_717 = tpu.vector_load %arg6[%parallel_loop3A_715, %parallel_loop3A_716] {strides = array<i32>} : memref<2x16384xf32, #tpu.memory_space<vmem>>, vector<1x16xf32>,
        %parallel_loop3A_718 = vector.shape_cast %parallel_loop3A_717 : vector<1x16xf32> to vector<16xf32>
        %parallel_loop3A_719 = vector.shape_cast %parallel_loop3A_713 : vector<16xf32> to vector<1x16xf32>
        tpu.vector_store %arg6[%parallel_loop3A_715, %parallel_loop3A_716], %parallel_loop3A_719 {strides = array<i32>} : memref<2x16384xf32, #tpu.memory_space<vmem>>, vector<1x16xf32>,
      } {sc.loop_unroll_factor = 8 : i64, sc.parallel_access}
      %mul3A_372 = arith.constant 2 : i32
      %mul3A_373 = arith.muli %add3A_302, %mul3A_372 : i32
      %add3A_374 = arith.constant 1 : i32
      %add3A_375 = arith.addi %mul3A_373, %add3A_374 : i32
      %get3A_376 = arith.index_cast %add3A_375 : i32 to index
      %get3A_377 = arith.constant 0 : index
      %get3A_378 = tpu.vector_load %arg5[%get3A_376, %get3A_377] {strides = array<i32>} : memref<200x16xf32, #tpu.memory_space<vmem>>, vector<1x16xf32>,
      %get3A_379 = vector.shape_cast %get3A_378 : vector<1x16xf32> to vector<16xf32>
      %parallel_loop3A_380 = arith.constant 0 : i32
      %parallel_loop3A_381 = arith.constant 1024 : i32
      %parallel_loop3A_382 = arith.constant 1 : i32
      scf.for %parallel_loop3A_704 = %parallel_loop3A_380 to %parallel_loop3A_381 step %parallel_loop3A_382  : i32 {
        %parallel_loop3A_705 = arith.constant 16 : i32
        %parallel_loop3A_706 = arith.muli %parallel_loop3A_704, %parallel_loop3A_705 : i32
        %parallel_loop3A_707 = tpu.assume_multiple %parallel_loop3A_706, 16 : i32
        %parallel_loop3A_708 = arith.constant 1 : i32
        %parallel_loop3A_709 = arith.index_cast %parallel_loop3A_708 : i32 to index
        %parallel_loop3A_710 = arith.index_cast %parallel_loop3A_707 : i32 to index
        %parallel_loop3A_711 = tpu.vector_load %arg6[%parallel_loop3A_709, %parallel_loop3A_710] {strides = array<i32>} : memref<2x16384xf32, #tpu.memory_space<vmem>>, vector<1x16xf32>,
        %parallel_loop3A_712 = vector.shape_cast %parallel_loop3A_711 : vector<1x16xf32> to vector<16xf32>
        %parallel_loop3A_713 = arith.addf %parallel_loop3A_712, %get3A_379 : vector<16xf32>
        %parallel_loop3A_714 = arith.constant 1 : i32
        %parallel_loop3A_715 = arith.index_cast %parallel_loop3A_714 : i32 to index
        %parallel_loop3A_716 = arith.index_cast %parallel_loop3A_707 : i32 to index
        %parallel_loop3A_717 = tpu.vector_load %arg6[%parallel_loop3A_715, %parallel_loop3A_716] {strides = array<i32>} : memref<2x16384xf32, #tpu.memory_space<vmem>>, vector<1x16xf32>,
        %parallel_loop3A_718 = vector.shape_cast %parallel_loop3A_717 : vector<1x16xf32> to vector<16xf32>
        %parallel_loop3A_719 = vector.shape_cast %parallel_loop3A_713 : vector<16xf32> to vector<1x16xf32>
        tpu.vector_store %arg6[%parallel_loop3A_715, %parallel_loop3A_716], %parallel_loop3A_719 {strides = array<i32>} : memref<2x16384xf32, #tpu.memory_space<vmem>>, vector<1x16xf32>,
      } {sc.loop_unroll_factor = 8 : i64, sc.parallel_access}
      %mul3A_383 = arith.constant 2 : i32
      %mul3A_384 = arith.muli %add3A_302, %mul3A_383 : i32
      %add3A_385 = arith.addi %mul3A_2, %mul3A_384 : i32
      %jit3A_386 = arith.constant 64 : i32
      %div3A_387 = arith.divsi %add3A_385, %jit3A_386 : i32
      %sign3A_388 = arith.constant 0 : i32
      %sign3A_389 = arith.cmpi sgt, %add3A_385, %sign3A_388 : i32
      %sign3A_390 = arith.extui %sign3A_389 : i1 to i32
      %sign3A_391 = arith.constant 0 : i32
      %sign3A_392 = arith.cmpi slt, %add3A_385, %sign3A_391 : i32
      %sign3A_393 = arith.extui %sign3A_392 : i1 to i32
      %sign3A_394 = arith.subi %sign3A_390, %sign3A_393 : i32
      %sign3A_395 = arith.constant 0 : i32
      %sign3A_396 = arith.cmpi sgt, %jit3A_386, %sign3A_395 : i32
      %sign3A_397 = arith.extui %sign3A_396 : i1 to i32
      %sign3A_398 = arith.constant 0 : i32
      %sign3A_399 = arith.cmpi slt, %jit3A_386, %sign3A_398 : i32
      %sign3A_400 = arith.extui %sign3A_399 : i1 to i32
      %sign3A_401 = arith.subi %sign3A_397, %sign3A_400 : i32
      %ne3A_402 = arith.cmpi ne, %sign3A_394, %sign3A_401 : i32
      %rem3A_403 = arith.remsi %add3A_385, %jit3A_386 : i32
      %ne3A_404 = arith.constant 0 : i32
      %ne3A_405 = arith.cmpi ne, %rem3A_403, %ne3A_404 : i32
      %and3A_406 = arith.andi %ne3A_402, %ne3A_405 : i1
      %sub3A_407 = arith.constant 1 : i32
      %sub3A_408 = arith.subi %div3A_387, %sub3A_407 : i32
      %select_n3A_409 = arith.select %and3A_406, %sub3A_408, %div3A_387 : i32
      %jit3A_410 = arith.constant 64 : i32
      %eq3A_411 = arith.constant 0 : i32
      %eq3A_412 = arith.cmpi eq, %jit3A_410, %eq3A_411 : i32
      %jit3A_413 = arith.constant 1 : i32
      %select_n3A_414 = arith.select %eq3A_412, %jit3A_413, %jit3A_410 : i32
      %rem3A_415 = arith.remsi %add3A_385, %select_n3A_414 : i32
      %ne3A_416 = arith.constant 0 : i32
      %ne3A_417 = arith.cmpi ne, %rem3A_415, %ne3A_416 : i32
      %lt3A_418 = arith.constant 0 : i32
      %lt3A_419 = arith.cmpi slt, %rem3A_415, %lt3A_418 : i32
      %lt3A_420 = arith.constant 0 : i32
      %lt3A_421 = arith.cmpi slt, %select_n3A_414, %lt3A_420 : i32
      %ne3A_422 = arith.xori %lt3A_419, %lt3A_421 : i1
      %and3A_423 = arith.andi %ne3A_422, %ne3A_417 : i1
      %add3A_424 = arith.addi %rem3A_415, %select_n3A_414 : i32
      %select_n3A_425 = arith.select %and3A_423, %add3A_424, %rem3A_415 : i32
      %dma_start3A_426 = arith.constant 0 : i32
      %dma_start3A_427 = tpu.memref_slice %arg4[%select_n3A_409, %select_n3A_425, %dma_start3A_426] : memref<100x64x16384xf32, #tpu.memory_space<hbm>> -> memref<1x2x16384xf32, #tpu.memory_space<hbm>>
      %dma_start3A_428 = tpu.memref_squeeze %dma_start3A_427 : memref<1x2x16384xf32, #tpu.memory_space<hbm>> -> memref<2x16384xf32, #tpu.memory_space<hbm>>
      %dma_start3A_429 = arith.constant 0 : i32
      %dma_start3A_430 = tpu.memref_slice %arg4[%select_n3A_409, %select_n3A_425, %dma_start3A_429] : memref<100x64x16384xf32, #tpu.memory_space<hbm>> -> memref<1x2x16384xf32, #tpu.memory_space<hbm>>
      %dma_start3A_431 = tpu.memref_squeeze %dma_start3A_430 : memref<1x2x16384xf32, #tpu.memory_space<hbm>> -> memref<2x16384xf32, #tpu.memory_space<hbm>>
      tpu.enqueue_dma source(%arg6 : memref<2x16384xf32, #tpu.memory_space<vmem>>) target(%dma_start3A_431 : memref<2x16384xf32, #tpu.memory_space<hbm>>) target_semaphore(%arg12 : memref<!tpu.dma_semaphore, #tpu.memory_space<semaphore_mem>>)
      %mul3A_432 = arith.constant 3 : i32
      %mul3A_433 = arith.muli %scan3A_298, %mul3A_432 : i32
      %add3A_434 = arith.constant 1 : i32
      %add3A_435 = arith.addi %mul3A_433, %add3A_434 : i32
      %mul3A_436 = arith.constant 2 : i32
      %mul3A_437 = arith.muli %add3A_435, %mul3A_436 : i32
      %add3A_438 = arith.addi %mul3A_2, %mul3A_437 : i32
      %jit3A_439 = arith.constant 64 : i32
      %div3A_440 = arith.divsi %add3A_438, %jit3A_439 : i32
      %sign3A_441 = arith.constant 0 : i32
      %sign3A_442 = arith.cmpi sgt, %add3A_438, %sign3A_441 : i32
      %sign3A_443 = arith.extui %sign3A_442 : i1 to i32
      %sign3A_444 = arith.constant 0 : i32
      %sign3A_445 = arith.cmpi slt, %add3A_438, %sign3A_444 : i32
      %sign3A_446 = arith.extui %sign3A_445 : i1 to i32
      %sign3A_447 = arith.subi %sign3A_443, %sign3A_446 : i32
      %sign3A_448 = arith.constant 0 : i32
      %sign3A_449 = arith.cmpi sgt, %jit3A_439, %sign3A_448 : i32
      %sign3A_450 = arith.extui %sign3A_449 : i1 to i32
      %sign3A_451 = arith.constant 0 : i32
      %sign3A_452 = arith.cmpi slt, %jit3A_439, %sign3A_451 : i32
      %sign3A_453 = arith.extui %sign3A_452 : i1 to i32
      %sign3A_454 = arith.subi %sign3A_450, %sign3A_453 : i32
      %ne3A_455 = arith.cmpi ne, %sign3A_447, %sign3A_454 : i32
      %rem3A_456 = arith.remsi %add3A_438, %jit3A_439 : i32
      %ne3A_457 = arith.constant 0 : i32
      %ne3A_458 = arith.cmpi ne, %rem3A_456, %ne3A_457 : i32
      %and3A_459 = arith.andi %ne3A_455, %ne3A_458 : i1
      %sub3A_460 = arith.constant 1 : i32
      %sub3A_461 = arith.subi %div3A_440, %sub3A_460 : i32
      %select_n3A_462 = arith.select %and3A_459, %sub3A_461, %div3A_440 : i32
      %jit3A_463 = arith.constant 64 : i32
      %eq3A_464 = arith.constant 0 : i32
      %eq3A_465 = arith.cmpi eq, %jit3A_463, %eq3A_464 : i32
      %jit3A_466 = arith.constant 1 : i32
      %select_n3A_467 = arith.select %eq3A_465, %jit3A_466, %jit3A_463 : i32
      %rem3A_468 = arith.remsi %add3A_438, %select_n3A_467 : i32
      %ne3A_469 = arith.constant 0 : i32
      %ne3A_470 = arith.cmpi ne, %rem3A_468, %ne3A_469 : i32
      %lt3A_471 = arith.constant 0 : i32
      %lt3A_472 = arith.cmpi slt, %rem3A_468, %lt3A_471 : i32
      %lt3A_473 = arith.constant 0 : i32
      %lt3A_474 = arith.cmpi slt, %select_n3A_467, %lt3A_473 : i32
      %ne3A_475 = arith.xori %lt3A_472, %lt3A_474 : i1
      %and3A_476 = arith.andi %ne3A_475, %ne3A_470 : i1
      %add3A_477 = arith.addi %rem3A_468, %select_n3A_467 : i32
      %select_n3A_478 = arith.select %and3A_476, %add3A_477, %rem3A_468 : i32
      %dma_wait3A_479 = arith.constant 0 : i32
      %dma_wait3A_480 = tpu.memref_slice %arg2[%select_n3A_462, %select_n3A_478, %dma_wait3A_479] : memref<100x64x16384xf32, #tpu.memory_space<hbm>> -> memref<1x2x16384xf32, #tpu.memory_space<hbm>>
      %dma_wait3A_481 = tpu.memref_squeeze %dma_wait3A_480 : memref<1x2x16384xf32, #tpu.memory_space<hbm>> -> memref<2x16384xf32, #tpu.memory_space<hbm>>
      %dma_wait3A_482 = arith.constant 0 : i32
      %dma_wait3A_483 = tpu.memref_slice %arg2[%select_n3A_462, %select_n3A_478, %dma_wait3A_482] : memref<100x64x16384xf32, #tpu.memory_space<hbm>> -> memref<1x2x16384xf32, #tpu.memory_space<hbm>>
      %dma_wait3A_484 = tpu.memref_squeeze %dma_wait3A_483 : memref<1x2x16384xf32, #tpu.memory_space<hbm>> -> memref<2x16384xf32, #tpu.memory_space<hbm>>
      tpu.wait_dma2 semaphore(%arg10 : memref<!tpu.dma_semaphore, #tpu.memory_space<semaphore_mem>>) src(%dma_wait3A_484 : memref<2x16384xf32, #tpu.memory_space<hbm>>) dst(%arg7 : memref<2x16384xf32, #tpu.memory_space<vmem>>)
      %ge3A_485 = arith.constant 2 : i32
      %ge3A_486 = arith.cmpi sge, %add3A_435, %ge3A_485 : i32
      %convert_element_type3A_487 = arith.extui %ge3A_486 : i1 to i32
      %cond3A_488 = arith.constant 0 : i32
      %cond3A_489 = arith.cmpi ne, %convert_element_type3A_487, %cond3A_488 : i32
      scf.if %cond3A_489 {
        %sub3A_704 = arith.constant 2 : i32
        %sub3A_705 = arith.subi %add3A_435, %sub3A_704 : i32
        %mul3A_706 = arith.constant 2 : i32
        %mul3A_707 = arith.muli %sub3A_705, %mul3A_706 : i32
        %add3A_708 = arith.addi %mul3A_2, %mul3A_707 : i32
        %jit3A_709 = arith.constant 64 : i32
        %div3A_710 = arith.divsi %add3A_708, %jit3A_709 : i32
        %sign3A_711 = arith.constant 0 : i32
        %sign3A_712 = arith.cmpi sgt, %add3A_708, %sign3A_711 : i32
        %sign3A_713 = arith.extui %sign3A_712 : i1 to i32
        %sign3A_714 = arith.constant 0 : i32
        %sign3A_715 = arith.cmpi slt, %add3A_708, %sign3A_714 : i32
        %sign3A_716 = arith.extui %sign3A_715 : i1 to i32
        %sign3A_717 = arith.subi %sign3A_713, %sign3A_716 : i32
        %sign3A_718 = arith.constant 0 : i32
        %sign3A_719 = arith.cmpi sgt, %jit3A_709, %sign3A_718 : i32
        %sign3A_720 = arith.extui %sign3A_719 : i1 to i32
        %sign3A_721 = arith.constant 0 : i32
        %sign3A_722 = arith.cmpi slt, %jit3A_709, %sign3A_721 : i32
        %sign3A_723 = arith.extui %sign3A_722 : i1 to i32
        %sign3A_724 = arith.subi %sign3A_720, %sign3A_723 : i32
        %ne3A_725 = arith.cmpi ne, %sign3A_717, %sign3A_724 : i32
        %rem3A_726 = arith.remsi %add3A_708, %jit3A_709 : i32
        %ne3A_727 = arith.constant 0 : i32
        %ne3A_728 = arith.cmpi ne, %rem3A_726, %ne3A_727 : i32
        %and3A_729 = arith.andi %ne3A_725, %ne3A_728 : i1
        %sub3A_730 = arith.constant 1 : i32
        %sub3A_731 = arith.subi %div3A_710, %sub3A_730 : i32
        %select_n3A_732 = arith.select %and3A_729, %sub3A_731, %div3A_710 : i32
        %jit3A_733 = arith.constant 64 : i32
        %eq3A_734 = arith.constant 0 : i32
        %eq3A_735 = arith.cmpi eq, %jit3A_733, %eq3A_734 : i32
        %jit3A_736 = arith.constant 1 : i32
        %select_n3A_737 = arith.select %eq3A_735, %jit3A_736, %jit3A_733 : i32
        %rem3A_738 = arith.remsi %add3A_708, %select_n3A_737 : i32
        %ne3A_739 = arith.constant 0 : i32
        %ne3A_740 = arith.cmpi ne, %rem3A_738, %ne3A_739 : i32
        %lt3A_741 = arith.constant 0 : i32
        %lt3A_742 = arith.cmpi slt, %rem3A_738, %lt3A_741 : i32
        %lt3A_743 = arith.constant 0 : i32
        %lt3A_744 = arith.cmpi slt, %select_n3A_737, %lt3A_743 : i32
        %ne3A_745 = arith.xori %lt3A_742, %lt3A_744 : i1
        %and3A_746 = arith.andi %ne3A_745, %ne3A_740 : i1
        %add3A_747 = arith.addi %rem3A_738, %select_n3A_737 : i32
        %select_n3A_748 = arith.select %and3A_746, %add3A_747, %rem3A_738 : i32
        %dma_wait3A_749 = arith.constant 0 : i32
        %dma_wait3A_750 = tpu.memref_slice %arg4[%select_n3A_732, %select_n3A_748, %dma_wait3A_749] : memref<100x64x16384xf32, #tpu.memory_space<hbm>> -> memref<1x2x16384xf32, #tpu.memory_space<hbm>>
        %dma_wait3A_751 = tpu.memref_squeeze %dma_wait3A_750 : memref<1x2x16384xf32, #tpu.memory_space<hbm>> -> memref<2x16384xf32, #tpu.memory_space<hbm>>
        %dma_wait3A_752 = arith.constant 0 : i32
        %dma_wait3A_753 = tpu.memref_slice %arg4[%select_n3A_732, %select_n3A_748, %dma_wait3A_752] : memref<100x64x16384xf32, #tpu.memory_space<hbm>> -> memref<1x2x16384xf32, #tpu.memory_space<hbm>>
        %dma_wait3A_754 = tpu.memref_squeeze %dma_wait3A_753 : memref<1x2x16384xf32, #tpu.memory_space<hbm>> -> memref<2x16384xf32, #tpu.memory_space<hbm>>
        tpu.wait_dma2 semaphore(%arg14 : memref<!tpu.dma_semaphore, #tpu.memory_space<semaphore_mem>>) src(%arg8 : memref<2x16384xf32, #tpu.memory_space<vmem>>) dst(%dma_wait3A_754 : memref<2x16384xf32, #tpu.memory_space<hbm>>)
      } else {
      }
      %add3A_490 = arith.constant 1 : i32
      %add3A_491 = arith.addi %add3A_435, %add3A_490 : i32
      %lt3A_492 = arith.constant 100 : i32
      %lt3A_493 = arith.cmpi slt, %add3A_491, %lt3A_492 : i32
      %convert_element_type3A_494 = arith.extui %lt3A_493 : i1 to i32
      %cond3A_495 = arith.constant 0 : i32
      %cond3A_496 = arith.cmpi ne, %convert_element_type3A_494, %cond3A_495 : i32
      scf.if %cond3A_496 {
        %add3A_704 = arith.constant 1 : i32
        %add3A_705 = arith.addi %add3A_435, %add3A_704 : i32
        %mul3A_706 = arith.constant 2 : i32
        %mul3A_707 = arith.muli %add3A_705, %mul3A_706 : i32
        %add3A_708 = arith.addi %mul3A_2, %mul3A_707 : i32
        %jit3A_709 = arith.constant 64 : i32
        %div3A_710 = arith.divsi %add3A_708, %jit3A_709 : i32
        %sign3A_711 = arith.constant 0 : i32
        %sign3A_712 = arith.cmpi sgt, %add3A_708, %sign3A_711 : i32
        %sign3A_713 = arith.extui %sign3A_712 : i1 to i32
        %sign3A_714 = arith.constant 0 : i32
        %sign3A_715 = arith.cmpi slt, %add3A_708, %sign3A_714 : i32
        %sign3A_716 = arith.extui %sign3A_715 : i1 to i32
        %sign3A_717 = arith.subi %sign3A_713, %sign3A_716 : i32
        %sign3A_718 = arith.constant 0 : i32
        %sign3A_719 = arith.cmpi sgt, %jit3A_709, %sign3A_718 : i32
        %sign3A_720 = arith.extui %sign3A_719 : i1 to i32
        %sign3A_721 = arith.constant 0 : i32
        %sign3A_722 = arith.cmpi slt, %jit3A_709, %sign3A_721 : i32
        %sign3A_723 = arith.extui %sign3A_722 : i1 to i32
        %sign3A_724 = arith.subi %sign3A_720, %sign3A_723 : i32
        %ne3A_725 = arith.cmpi ne, %sign3A_717, %sign3A_724 : i32
        %rem3A_726 = arith.remsi %add3A_708, %jit3A_709 : i32
        %ne3A_727 = arith.constant 0 : i32
        %ne3A_728 = arith.cmpi ne, %rem3A_726, %ne3A_727 : i32
        %and3A_729 = arith.andi %ne3A_725, %ne3A_728 : i1
        %sub3A_730 = arith.constant 1 : i32
        %sub3A_731 = arith.subi %div3A_710, %sub3A_730 : i32
        %select_n3A_732 = arith.select %and3A_729, %sub3A_731, %div3A_710 : i32
        %jit3A_733 = arith.constant 64 : i32
        %eq3A_734 = arith.constant 0 : i32
        %eq3A_735 = arith.cmpi eq, %jit3A_733, %eq3A_734 : i32
        %jit3A_736 = arith.constant 1 : i32
        %select_n3A_737 = arith.select %eq3A_735, %jit3A_736, %jit3A_733 : i32
        %rem3A_738 = arith.remsi %add3A_708, %select_n3A_737 : i32
        %ne3A_739 = arith.constant 0 : i32
        %ne3A_740 = arith.cmpi ne, %rem3A_738, %ne3A_739 : i32
        %lt3A_741 = arith.constant 0 : i32
        %lt3A_742 = arith.cmpi slt, %rem3A_738, %lt3A_741 : i32
        %lt3A_743 = arith.constant 0 : i32
        %lt3A_744 = arith.cmpi slt, %select_n3A_737, %lt3A_743 : i32
        %ne3A_745 = arith.xori %lt3A_742, %lt3A_744 : i1
        %and3A_746 = arith.andi %ne3A_745, %ne3A_740 : i1
        %add3A_747 = arith.addi %rem3A_738, %select_n3A_737 : i32
        %select_n3A_748 = arith.select %and3A_746, %add3A_747, %rem3A_738 : i32
        %dma_start3A_749 = arith.constant 0 : i32
        %dma_start3A_750 = tpu.memref_slice %arg2[%select_n3A_732, %select_n3A_748, %dma_start3A_749] : memref<100x64x16384xf32, #tpu.memory_space<hbm>> -> memref<1x2x16384xf32, #tpu.memory_space<hbm>>
        %dma_start3A_751 = tpu.memref_squeeze %dma_start3A_750 : memref<1x2x16384xf32, #tpu.memory_space<hbm>> -> memref<2x16384xf32, #tpu.memory_space<hbm>>
        %dma_start3A_752 = arith.constant 0 : i32
        %dma_start3A_753 = tpu.memref_slice %arg2[%select_n3A_732, %select_n3A_748, %dma_start3A_752] : memref<100x64x16384xf32, #tpu.memory_space<hbm>> -> memref<1x2x16384xf32, #tpu.memory_space<hbm>>
        %dma_start3A_754 = tpu.memref_squeeze %dma_start3A_753 : memref<1x2x16384xf32, #tpu.memory_space<hbm>> -> memref<2x16384xf32, #tpu.memory_space<hbm>>
        tpu.enqueue_dma source(%dma_start3A_754 : memref<2x16384xf32, #tpu.memory_space<hbm>>) target(%arg8 : memref<2x16384xf32, #tpu.memory_space<vmem>>) target_semaphore(%arg11 : memref<!tpu.dma_semaphore, #tpu.memory_space<semaphore_mem>>)
      } else {
      }
      %mul3A_497 = arith.constant 2 : i32
      %mul3A_498 = arith.muli %add3A_435, %mul3A_497 : i32
      %add3A_499 = arith.constant 0 : i32
      %add3A_500 = arith.addi %mul3A_498, %add3A_499 : i32
      %get3A_501 = arith.index_cast %add3A_500 : i32 to index
      %get3A_502 = arith.constant 0 : index
      %get3A_503 = tpu.vector_load %arg5[%get3A_501, %get3A_502] {strides = array<i32>} : memref<200x16xf32, #tpu.memory_space<vmem>>, vector<1x16xf32>,
      %get3A_504 = vector.shape_cast %get3A_503 : vector<1x16xf32> to vector<16xf32>
      %parallel_loop3A_505 = arith.constant 0 : i32
      %parallel_loop3A_506 = arith.constant 1024 : i32
      %parallel_loop3A_507 = arith.constant 1 : i32
      scf.for %parallel_loop3A_704 = %parallel_loop3A_505 to %parallel_loop3A_506 step %parallel_loop3A_507  : i32 {
        %parallel_loop3A_705 = arith.constant 16 : i32
        %parallel_loop3A_706 = arith.muli %parallel_loop3A_704, %parallel_loop3A_705 : i32
        %parallel_loop3A_707 = tpu.assume_multiple %parallel_loop3A_706, 16 : i32
        %parallel_loop3A_708 = arith.constant 0 : i32
        %parallel_loop3A_709 = arith.index_cast %parallel_loop3A_708 : i32 to index
        %parallel_loop3A_710 = arith.index_cast %parallel_loop3A_707 : i32 to index
        %parallel_loop3A_711 = tpu.vector_load %arg7[%parallel_loop3A_709, %parallel_loop3A_710] {strides = array<i32>} : memref<2x16384xf32, #tpu.memory_space<vmem>>, vector<1x16xf32>,
        %parallel_loop3A_712 = vector.shape_cast %parallel_loop3A_711 : vector<1x16xf32> to vector<16xf32>
        %parallel_loop3A_713 = arith.addf %parallel_loop3A_712, %get3A_504 : vector<16xf32>
        %parallel_loop3A_714 = arith.constant 0 : i32
        %parallel_loop3A_715 = arith.index_cast %parallel_loop3A_714 : i32 to index
        %parallel_loop3A_716 = arith.index_cast %parallel_loop3A_707 : i32 to index
        %parallel_loop3A_717 = tpu.vector_load %arg7[%parallel_loop3A_715, %parallel_loop3A_716] {strides = array<i32>} : memref<2x16384xf32, #tpu.memory_space<vmem>>, vector<1x16xf32>,
        %parallel_loop3A_718 = vector.shape_cast %parallel_loop3A_717 : vector<1x16xf32> to vector<16xf32>
        %parallel_loop3A_719 = vector.shape_cast %parallel_loop3A_713 : vector<16xf32> to vector<1x16xf32>
        tpu.vector_store %arg7[%parallel_loop3A_715, %parallel_loop3A_716], %parallel_loop3A_719 {strides = array<i32>} : memref<2x16384xf32, #tpu.memory_space<vmem>>, vector<1x16xf32>,
      } {sc.loop_unroll_factor = 8 : i64, sc.parallel_access}
      %mul3A_508 = arith.constant 2 : i32
      %mul3A_509 = arith.muli %add3A_435, %mul3A_508 : i32
      %add3A_510 = arith.constant 1 : i32
      %add3A_511 = arith.addi %mul3A_509, %add3A_510 : i32
      %get3A_512 = arith.index_cast %add3A_511 : i32 to index
      %get3A_513 = arith.constant 0 : index
      %get3A_514 = tpu.vector_load %arg5[%get3A_512, %get3A_513] {strides = array<i32>} : memref<200x16xf32, #tpu.memory_space<vmem>>, vector<1x16xf32>,
      %get3A_515 = vector.shape_cast %get3A_514 : vector<1x16xf32> to vector<16xf32>
      %parallel_loop3A_516 = arith.constant 0 : i32
      %parallel_loop3A_517 = arith.constant 1024 : i32
      %parallel_loop3A_518 = arith.constant 1 : i32
      scf.for %parallel_loop3A_704 = %parallel_loop3A_516 to %parallel_loop3A_517 step %parallel_loop3A_518  : i32 {
        %parallel_loop3A_705 = arith.constant 16 : i32
        %parallel_loop3A_706 = arith.muli %parallel_loop3A_704, %parallel_loop3A_705 : i32
        %parallel_loop3A_707 = tpu.assume_multiple %parallel_loop3A_706, 16 : i32
        %parallel_loop3A_708 = arith.constant 1 : i32
        %parallel_loop3A_709 = arith.index_cast %parallel_loop3A_708 : i32 to index
        %parallel_loop3A_710 = arith.index_cast %parallel_loop3A_707 : i32 to index
        %parallel_loop3A_711 = tpu.vector_load %arg7[%parallel_loop3A_709, %parallel_loop3A_710] {strides = array<i32>} : memref<2x16384xf32, #tpu.memory_space<vmem>>, vector<1x16xf32>,
        %parallel_loop3A_712 = vector.shape_cast %parallel_loop3A_711 : vector<1x16xf32> to vector<16xf32>
        %parallel_loop3A_713 = arith.addf %parallel_loop3A_712, %get3A_515 : vector<16xf32>
        %parallel_loop3A_714 = arith.constant 1 : i32
        %parallel_loop3A_715 = arith.index_cast %parallel_loop3A_714 : i32 to index
        %parallel_loop3A_716 = arith.index_cast %parallel_loop3A_707 : i32 to index
        %parallel_loop3A_717 = tpu.vector_load %arg7[%parallel_loop3A_715, %parallel_loop3A_716] {strides = array<i32>} : memref<2x16384xf32, #tpu.memory_space<vmem>>, vector<1x16xf32>,
        %parallel_loop3A_718 = vector.shape_cast %parallel_loop3A_717 : vector<1x16xf32> to vector<16xf32>
        %parallel_loop3A_719 = vector.shape_cast %parallel_loop3A_713 : vector<16xf32> to vector<1x16xf32>
        tpu.vector_store %arg7[%parallel_loop3A_715, %parallel_loop3A_716], %parallel_loop3A_719 {strides = array<i32>} : memref<2x16384xf32, #tpu.memory_space<vmem>>, vector<1x16xf32>,
      } {sc.loop_unroll_factor = 8 : i64, sc.parallel_access}
      %mul3A_519 = arith.constant 2 : i32
      %mul3A_520 = arith.muli %add3A_435, %mul3A_519 : i32
      %add3A_521 = arith.addi %mul3A_2, %mul3A_520 : i32
      %jit3A_522 = arith.constant 64 : i32
      %div3A_523 = arith.divsi %add3A_521, %jit3A_522 : i32
      %sign3A_524 = arith.constant 0 : i32
      %sign3A_525 = arith.cmpi sgt, %add3A_521, %sign3A_524 : i32
      %sign3A_526 = arith.extui %sign3A_525 : i1 to i32
      %sign3A_527 = arith.constant 0 : i32
      %sign3A_528 = arith.cmpi slt, %add3A_521, %sign3A_527 : i32
      %sign3A_529 = arith.extui %sign3A_528 : i1 to i32
      %sign3A_530 = arith.subi %sign3A_526, %sign3A_529 : i32
      %sign3A_531 = arith.constant 0 : i32
      %sign3A_532 = arith.cmpi sgt, %jit3A_522, %sign3A_531 : i32
      %sign3A_533 = arith.extui %sign3A_532 : i1 to i32
      %sign3A_534 = arith.constant 0 : i32
      %sign3A_535 = arith.cmpi slt, %jit3A_522, %sign3A_534 : i32
      %sign3A_536 = arith.extui %sign3A_535 : i1 to i32
      %sign3A_537 = arith.subi %sign3A_533, %sign3A_536 : i32
      %ne3A_538 = arith.cmpi ne, %sign3A_530, %sign3A_537 : i32
      %rem3A_539 = arith.remsi %add3A_521, %jit3A_522 : i32
      %ne3A_540 = arith.constant 0 : i32
      %ne3A_541 = arith.cmpi ne, %rem3A_539, %ne3A_540 : i32
      %and3A_542 = arith.andi %ne3A_538, %ne3A_541 : i1
      %sub3A_543 = arith.constant 1 : i32
      %sub3A_544 = arith.subi %div3A_523, %sub3A_543 : i32
      %select_n3A_545 = arith.select %and3A_542, %sub3A_544, %div3A_523 : i32
      %jit3A_546 = arith.constant 64 : i32
      %eq3A_547 = arith.constant 0 : i32
      %eq3A_548 = arith.cmpi eq, %jit3A_546, %eq3A_547 : i32
      %jit3A_549 = arith.constant 1 : i32
      %select_n3A_550 = arith.select %eq3A_548, %jit3A_549, %jit3A_546 : i32
      %rem3A_551 = arith.remsi %add3A_521, %select_n3A_550 : i32
      %ne3A_552 = arith.constant 0 : i32
      %ne3A_553 = arith.cmpi ne, %rem3A_551, %ne3A_552 : i32
      %lt3A_554 = arith.constant 0 : i32
      %lt3A_555 = arith.cmpi slt, %rem3A_551, %lt3A_554 : i32
      %lt3A_556 = arith.constant 0 : i32
      %lt3A_557 = arith.cmpi slt, %select_n3A_550, %lt3A_556 : i32
      %ne3A_558 = arith.xori %lt3A_555, %lt3A_557 : i1
      %and3A_559 = arith.andi %ne3A_558, %ne3A_553 : i1
      %add3A_560 = arith.addi %rem3A_551, %select_n3A_550 : i32
      %select_n3A_561 = arith.select %and3A_559, %add3A_560, %rem3A_551 : i32
      %dma_start3A_562 = arith.constant 0 : i32
      %dma_start3A_563 = tpu.memref_slice %arg4[%select_n3A_545, %select_n3A_561, %dma_start3A_562] : memref<100x64x16384xf32, #tpu.memory_space<hbm>> -> memref<1x2x16384xf32, #tpu.memory_space<hbm>>
      %dma_start3A_564 = tpu.memref_squeeze %dma_start3A_563 : memref<1x2x16384xf32, #tpu.memory_space<hbm>> -> memref<2x16384xf32, #tpu.memory_space<hbm>>
      %dma_start3A_565 = arith.constant 0 : i32
      %dma_start3A_566 = tpu.memref_slice %arg4[%select_n3A_545, %select_n3A_561, %dma_start3A_565] : memref<100x64x16384xf32, #tpu.memory_space<hbm>> -> memref<1x2x16384xf32, #tpu.memory_space<hbm>>
      %dma_start3A_567 = tpu.memref_squeeze %dma_start3A_566 : memref<1x2x16384xf32, #tpu.memory_space<hbm>> -> memref<2x16384xf32, #tpu.memory_space<hbm>>
      tpu.enqueue_dma source(%arg7 : memref<2x16384xf32, #tpu.memory_space<vmem>>) target(%dma_start3A_567 : memref<2x16384xf32, #tpu.memory_space<hbm>>) target_semaphore(%arg13 : memref<!tpu.dma_semaphore, #tpu.memory_space<semaphore_mem>>)
      %mul3A_568 = arith.constant 3 : i32
      %mul3A_569 = arith.muli %scan3A_298, %mul3A_568 : i32
      %add3A_570 = arith.constant 2 : i32
      %add3A_571 = arith.addi %mul3A_569, %add3A_570 : i32
      %mul3A_572 = arith.constant 2 : i32
      %mul3A_573 = arith.muli %add3A_571, %mul3A_572 : i32
      %add3A_574 = arith.addi %mul3A_2, %mul3A_573 : i32
      %jit3A_575 = arith.constant 64 : i32
      %div3A_576 = arith.divsi %add3A_574, %jit3A_575 : i32
      %sign3A_577 = arith.constant 0 : i32
      %sign3A_578 = arith.cmpi sgt, %add3A_574, %sign3A_577 : i32
      %sign3A_579 = arith.extui %sign3A_578 : i1 to i32
      %sign3A_580 = arith.constant 0 : i32
      %sign3A_581 = arith.cmpi slt, %add3A_574, %sign3A_580 : i32
      %sign3A_582 = arith.extui %sign3A_581 : i1 to i32
      %sign3A_583 = arith.subi %sign3A_579, %sign3A_582 : i32
      %sign3A_584 = arith.constant 0 : i32
      %sign3A_585 = arith.cmpi sgt, %jit3A_575, %sign3A_584 : i32
      %sign3A_586 = arith.extui %sign3A_585 : i1 to i32
      %sign3A_587 = arith.constant 0 : i32
      %sign3A_588 = arith.cmpi slt, %jit3A_575, %sign3A_587 : i32
      %sign3A_589 = arith.extui %sign3A_588 : i1 to i32
      %sign3A_590 = arith.subi %sign3A_586, %sign3A_589 : i32
      %ne3A_591 = arith.cmpi ne, %sign3A_583, %sign3A_590 : i32
      %rem3A_592 = arith.remsi %add3A_574, %jit3A_575 : i32
      %ne3A_593 = arith.constant 0 : i32
      %ne3A_594 = arith.cmpi ne, %rem3A_592, %ne3A_593 : i32
      %and3A_595 = arith.andi %ne3A_591, %ne3A_594 : i1
      %sub3A_596 = arith.constant 1 : i32
      %sub3A_597 = arith.subi %div3A_576, %sub3A_596 : i32
      %select_n3A_598 = arith.select %and3A_595, %sub3A_597, %div3A_576 : i32
      %jit3A_599 = arith.constant 64 : i32
      %eq3A_600 = arith.constant 0 : i32
      %eq3A_601 = arith.cmpi eq, %jit3A_599, %eq3A_600 : i32
      %jit3A_602 = arith.constant 1 : i32
      %select_n3A_603 = arith.select %eq3A_601, %jit3A_602, %jit3A_599 : i32
      %rem3A_604 = arith.remsi %add3A_574, %select_n3A_603 : i32
      %ne3A_605 = arith.constant 0 : i32
      %ne3A_606 = arith.cmpi ne, %rem3A_604, %ne3A_605 : i32
      %lt3A_607 = arith.constant 0 : i32
      %lt3A_608 = arith.cmpi slt, %rem3A_604, %lt3A_607 : i32
      %lt3A_609 = arith.constant 0 : i32
      %lt3A_610 = arith.cmpi slt, %select_n3A_603, %lt3A_609 : i32
      %ne3A_611 = arith.xori %lt3A_608, %lt3A_610 : i1
      %and3A_612 = arith.andi %ne3A_611, %ne3A_606 : i1
      %add3A_613 = arith.addi %rem3A_604, %select_n3A_603 : i32
      %select_n3A_614 = arith.select %and3A_612, %add3A_613, %rem3A_604 : i32
      %dma_wait3A_615 = arith.constant 0 : i32
      %dma_wait3A_616 = tpu.memref_slice %arg2[%select_n3A_598, %select_n3A_614, %dma_wait3A_615] : memref<100x64x16384xf32, #tpu.memory_space<hbm>> -> memref<1x2x16384xf32, #tpu.memory_space<hbm>>
      %dma_wait3A_617 = tpu.memref_squeeze %dma_wait3A_616 : memref<1x2x16384xf32, #tpu.memory_space<hbm>> -> memref<2x16384xf32, #tpu.memory_space<hbm>>
      %dma_wait3A_618 = arith.constant 0 : i32
      %dma_wait3A_619 = tpu.memref_slice %arg2[%select_n3A_598, %select_n3A_614, %dma_wait3A_618] : memref<100x64x16384xf32, #tpu.memory_space<hbm>> -> memref<1x2x16384xf32, #tpu.memory_space<hbm>>
      %dma_wait3A_620 = tpu.memref_squeeze %dma_wait3A_619 : memref<1x2x16384xf32, #tpu.memory_space<hbm>> -> memref<2x16384xf32, #tpu.memory_space<hbm>>
      tpu.wait_dma2 semaphore(%arg11 : memref<!tpu.dma_semaphore, #tpu.memory_space<semaphore_mem>>) src(%dma_wait3A_620 : memref<2x16384xf32, #tpu.memory_space<hbm>>) dst(%arg8 : memref<2x16384xf32, #tpu.memory_space<vmem>>)
      %ge3A_621 = arith.constant 2 : i32
      %ge3A_622 = arith.cmpi sge, %add3A_571, %ge3A_621 : i32
      %convert_element_type3A_623 = arith.extui %ge3A_622 : i1 to i32
      %cond3A_624 = arith.constant 0 : i32
      %cond3A_625 = arith.cmpi ne, %convert_element_type3A_623, %cond3A_624 : i32
      scf.if %cond3A_625 {
        %sub3A_704 = arith.constant 2 : i32
        %sub3A_705 = arith.subi %add3A_571, %sub3A_704 : i32
        %mul3A_706 = arith.constant 2 : i32
        %mul3A_707 = arith.muli %sub3A_705, %mul3A_706 : i32
        %add3A_708 = arith.addi %mul3A_2, %mul3A_707 : i32
        %jit3A_709 = arith.constant 64 : i32
        %div3A_710 = arith.divsi %add3A_708, %jit3A_709 : i32
        %sign3A_711 = arith.constant 0 : i32
        %sign3A_712 = arith.cmpi sgt, %add3A_708, %sign3A_711 : i32
        %sign3A_713 = arith.extui %sign3A_712 : i1 to i32
        %sign3A_714 = arith.constant 0 : i32
        %sign3A_715 = arith.cmpi slt, %add3A_708, %sign3A_714 : i32
        %sign3A_716 = arith.extui %sign3A_715 : i1 to i32
        %sign3A_717 = arith.subi %sign3A_713, %sign3A_716 : i32
        %sign3A_718 = arith.constant 0 : i32
        %sign3A_719 = arith.cmpi sgt, %jit3A_709, %sign3A_718 : i32
        %sign3A_720 = arith.extui %sign3A_719 : i1 to i32
        %sign3A_721 = arith.constant 0 : i32
        %sign3A_722 = arith.cmpi slt, %jit3A_709, %sign3A_721 : i32
        %sign3A_723 = arith.extui %sign3A_722 : i1 to i32
        %sign3A_724 = arith.subi %sign3A_720, %sign3A_723 : i32
        %ne3A_725 = arith.cmpi ne, %sign3A_717, %sign3A_724 : i32
        %rem3A_726 = arith.remsi %add3A_708, %jit3A_709 : i32
        %ne3A_727 = arith.constant 0 : i32
        %ne3A_728 = arith.cmpi ne, %rem3A_726, %ne3A_727 : i32
        %and3A_729 = arith.andi %ne3A_725, %ne3A_728 : i1
        %sub3A_730 = arith.constant 1 : i32
        %sub3A_731 = arith.subi %div3A_710, %sub3A_730 : i32
        %select_n3A_732 = arith.select %and3A_729, %sub3A_731, %div3A_710 : i32
        %jit3A_733 = arith.constant 64 : i32
        %eq3A_734 = arith.constant 0 : i32
        %eq3A_735 = arith.cmpi eq, %jit3A_733, %eq3A_734 : i32
        %jit3A_736 = arith.constant 1 : i32
        %select_n3A_737 = arith.select %eq3A_735, %jit3A_736, %jit3A_733 : i32
        %rem3A_738 = arith.remsi %add3A_708, %select_n3A_737 : i32
        %ne3A_739 = arith.constant 0 : i32
        %ne3A_740 = arith.cmpi ne, %rem3A_738, %ne3A_739 : i32
        %lt3A_741 = arith.constant 0 : i32
        %lt3A_742 = arith.cmpi slt, %rem3A_738, %lt3A_741 : i32
        %lt3A_743 = arith.constant 0 : i32
        %lt3A_744 = arith.cmpi slt, %select_n3A_737, %lt3A_743 : i32
        %ne3A_745 = arith.xori %lt3A_742, %lt3A_744 : i1
        %and3A_746 = arith.andi %ne3A_745, %ne3A_740 : i1
        %add3A_747 = arith.addi %rem3A_738, %select_n3A_737 : i32
        %select_n3A_748 = arith.select %and3A_746, %add3A_747, %rem3A_738 : i32
        %dma_wait3A_749 = arith.constant 0 : i32
        %dma_wait3A_750 = tpu.memref_slice %arg4[%select_n3A_732, %select_n3A_748, %dma_wait3A_749] : memref<100x64x16384xf32, #tpu.memory_space<hbm>> -> memref<1x2x16384xf32, #tpu.memory_space<hbm>>
        %dma_wait3A_751 = tpu.memref_squeeze %dma_wait3A_750 : memref<1x2x16384xf32, #tpu.memory_space<hbm>> -> memref<2x16384xf32, #tpu.memory_space<hbm>>
        %dma_wait3A_752 = arith.constant 0 : i32
        %dma_wait3A_753 = tpu.memref_slice %arg4[%select_n3A_732, %select_n3A_748, %dma_wait3A_752] : memref<100x64x16384xf32, #tpu.memory_space<hbm>> -> memref<1x2x16384xf32, #tpu.memory_space<hbm>>
        %dma_wait3A_754 = tpu.memref_squeeze %dma_wait3A_753 : memref<1x2x16384xf32, #tpu.memory_space<hbm>> -> memref<2x16384xf32, #tpu.memory_space<hbm>>
        tpu.wait_dma2 semaphore(%arg12 : memref<!tpu.dma_semaphore, #tpu.memory_space<semaphore_mem>>) src(%arg6 : memref<2x16384xf32, #tpu.memory_space<vmem>>) dst(%dma_wait3A_754 : memref<2x16384xf32, #tpu.memory_space<hbm>>)
      } else {
      }
      %add3A_626 = arith.constant 1 : i32
      %add3A_627 = arith.addi %add3A_571, %add3A_626 : i32
      %lt3A_628 = arith.constant 100 : i32
      %lt3A_629 = arith.cmpi slt, %add3A_627, %lt3A_628 : i32
      %convert_element_type3A_630 = arith.extui %lt3A_629 : i1 to i32
      %cond3A_631 = arith.constant 0 : i32
      %cond3A_632 = arith.cmpi ne, %convert_element_type3A_630, %cond3A_631 : i32
      scf.if %cond3A_632 {
        %add3A_704 = arith.constant 1 : i32
        %add3A_705 = arith.addi %add3A_571, %add3A_704 : i32
        %mul3A_706 = arith.constant 2 : i32
        %mul3A_707 = arith.muli %add3A_705, %mul3A_706 : i32
        %add3A_708 = arith.addi %mul3A_2, %mul3A_707 : i32
        %jit3A_709 = arith.constant 64 : i32
        %div3A_710 = arith.divsi %add3A_708, %jit3A_709 : i32
        %sign3A_711 = arith.constant 0 : i32
        %sign3A_712 = arith.cmpi sgt, %add3A_708, %sign3A_711 : i32
        %sign3A_713 = arith.extui %sign3A_712 : i1 to i32
        %sign3A_714 = arith.constant 0 : i32
        %sign3A_715 = arith.cmpi slt, %add3A_708, %sign3A_714 : i32
        %sign3A_716 = arith.extui %sign3A_715 : i1 to i32
        %sign3A_717 = arith.subi %sign3A_713, %sign3A_716 : i32
        %sign3A_718 = arith.constant 0 : i32
        %sign3A_719 = arith.cmpi sgt, %jit3A_709, %sign3A_718 : i32
        %sign3A_720 = arith.extui %sign3A_719 : i1 to i32
        %sign3A_721 = arith.constant 0 : i32
        %sign3A_722 = arith.cmpi slt, %jit3A_709, %sign3A_721 : i32
        %sign3A_723 = arith.extui %sign3A_722 : i1 to i32
        %sign3A_724 = arith.subi %sign3A_720, %sign3A_723 : i32
        %ne3A_725 = arith.cmpi ne, %sign3A_717, %sign3A_724 : i32
        %rem3A_726 = arith.remsi %add3A_708, %jit3A_709 : i32
        %ne3A_727 = arith.constant 0 : i32
        %ne3A_728 = arith.cmpi ne, %rem3A_726, %ne3A_727 : i32
        %and3A_729 = arith.andi %ne3A_725, %ne3A_728 : i1
        %sub3A_730 = arith.constant 1 : i32
        %sub3A_731 = arith.subi %div3A_710, %sub3A_730 : i32
        %select_n3A_732 = arith.select %and3A_729, %sub3A_731, %div3A_710 : i32
        %jit3A_733 = arith.constant 64 : i32
        %eq3A_734 = arith.constant 0 : i32
        %eq3A_735 = arith.cmpi eq, %jit3A_733, %eq3A_734 : i32
        %jit3A_736 = arith.constant 1 : i32
        %select_n3A_737 = arith.select %eq3A_735, %jit3A_736, %jit3A_733 : i32
        %rem3A_738 = arith.remsi %add3A_708, %select_n3A_737 : i32
        %ne3A_739 = arith.constant 0 : i32
        %ne3A_740 = arith.cmpi ne, %rem3A_738, %ne3A_739 : i32
        %lt3A_741 = arith.constant 0 : i32
        %lt3A_742 = arith.cmpi slt, %rem3A_738, %lt3A_741 : i32
        %lt3A_743 = arith.constant 0 : i32
        %lt3A_744 = arith.cmpi slt, %select_n3A_737, %lt3A_743 : i32
        %ne3A_745 = arith.xori %lt3A_742, %lt3A_744 : i1
        %and3A_746 = arith.andi %ne3A_745, %ne3A_740 : i1
        %add3A_747 = arith.addi %rem3A_738, %select_n3A_737 : i32
        %select_n3A_748 = arith.select %and3A_746, %add3A_747, %rem3A_738 : i32
        %dma_start3A_749 = arith.constant 0 : i32
        %dma_start3A_750 = tpu.memref_slice %arg2[%select_n3A_732, %select_n3A_748, %dma_start3A_749] : memref<100x64x16384xf32, #tpu.memory_space<hbm>> -> memref<1x2x16384xf32, #tpu.memory_space<hbm>>
        %dma_start3A_751 = tpu.memref_squeeze %dma_start3A_750 : memref<1x2x16384xf32, #tpu.memory_space<hbm>> -> memref<2x16384xf32, #tpu.memory_space<hbm>>
        %dma_start3A_752 = arith.constant 0 : i32
        %dma_start3A_753 = tpu.memref_slice %arg2[%select_n3A_732, %select_n3A_748, %dma_start3A_752] : memref<100x64x16384xf32, #tpu.memory_space<hbm>> -> memref<1x2x16384xf32, #tpu.memory_space<hbm>>
        %dma_start3A_754 = tpu.memref_squeeze %dma_start3A_753 : memref<1x2x16384xf32, #tpu.memory_space<hbm>> -> memref<2x16384xf32, #tpu.memory_space<hbm>>
        tpu.enqueue_dma source(%dma_start3A_754 : memref<2x16384xf32, #tpu.memory_space<hbm>>) target(%arg6 : memref<2x16384xf32, #tpu.memory_space<vmem>>) target_semaphore(%arg9 : memref<!tpu.dma_semaphore, #tpu.memory_space<semaphore_mem>>)
      } else {
      }
      %mul3A_633 = arith.constant 2 : i32
      %mul3A_634 = arith.muli %add3A_571, %mul3A_633 : i32
      %add3A_635 = arith.constant 0 : i32
      %add3A_636 = arith.addi %mul3A_634, %add3A_635 : i32
      %get3A_637 = arith.index_cast %add3A_636 : i32 to index
      %get3A_638 = arith.constant 0 : index
      %get3A_639 = tpu.vector_load %arg5[%get3A_637, %get3A_638] {strides = array<i32>} : memref<200x16xf32, #tpu.memory_space<vmem>>, vector<1x16xf32>,
      %get3A_640 = vector.shape_cast %get3A_639 : vector<1x16xf32> to vector<16xf32>
      %parallel_loop3A_641 = arith.constant 0 : i32
      %parallel_loop3A_642 = arith.constant 1024 : i32
      %parallel_loop3A_643 = arith.constant 1 : i32
      scf.for %parallel_loop3A_704 = %parallel_loop3A_641 to %parallel_loop3A_642 step %parallel_loop3A_643  : i32 {
        %parallel_loop3A_705 = arith.constant 16 : i32
        %parallel_loop3A_706 = arith.muli %parallel_loop3A_704, %parallel_loop3A_705 : i32
        %parallel_loop3A_707 = tpu.assume_multiple %parallel_loop3A_706, 16 : i32
        %parallel_loop3A_708 = arith.constant 0 : i32
        %parallel_loop3A_709 = arith.index_cast %parallel_loop3A_708 : i32 to index
        %parallel_loop3A_710 = arith.index_cast %parallel_loop3A_707 : i32 to index
        %parallel_loop3A_711 = tpu.vector_load %arg8[%parallel_loop3A_709, %parallel_loop3A_710] {strides = array<i32>} : memref<2x16384xf32, #tpu.memory_space<vmem>>, vector<1x16xf32>,
        %parallel_loop3A_712 = vector.shape_cast %parallel_loop3A_711 : vector<1x16xf32> to vector<16xf32>
        %parallel_loop3A_713 = arith.addf %parallel_loop3A_712, %get3A_640 : vector<16xf32>
        %parallel_loop3A_714 = arith.constant 0 : i32
        %parallel_loop3A_715 = arith.index_cast %parallel_loop3A_714 : i32 to index
        %parallel_loop3A_716 = arith.index_cast %parallel_loop3A_707 : i32 to index
        %parallel_loop3A_717 = tpu.vector_load %arg8[%parallel_loop3A_715, %parallel_loop3A_716] {strides = array<i32>} : memref<2x16384xf32, #tpu.memory_space<vmem>>, vector<1x16xf32>,
        %parallel_loop3A_718 = vector.shape_cast %parallel_loop3A_717 : vector<1x16xf32> to vector<16xf32>
        %parallel_loop3A_719 = vector.shape_cast %parallel_loop3A_713 : vector<16xf32> to vector<1x16xf32>
        tpu.vector_store %arg8[%parallel_loop3A_715, %parallel_loop3A_716], %parallel_loop3A_719 {strides = array<i32>} : memref<2x16384xf32, #tpu.memory_space<vmem>>, vector<1x16xf32>,
      } {sc.loop_unroll_factor = 8 : i64, sc.parallel_access}
      %mul3A_644 = arith.constant 2 : i32
      %mul3A_645 = arith.muli %add3A_571, %mul3A_644 : i32
      %add3A_646 = arith.constant 1 : i32
      %add3A_647 = arith.addi %mul3A_645, %add3A_646 : i32
      %get3A_648 = arith.index_cast %add3A_647 : i32 to index
      %get3A_649 = arith.constant 0 : index
      %get3A_650 = tpu.vector_load %arg5[%get3A_648, %get3A_649] {strides = array<i32>} : memref<200x16xf32, #tpu.memory_space<vmem>>, vector<1x16xf32>,
      %get3A_651 = vector.shape_cast %get3A_650 : vector<1x16xf32> to vector<16xf32>
      %parallel_loop3A_652 = arith.constant 0 : i32
      %parallel_loop3A_653 = arith.constant 1024 : i32
      %parallel_loop3A_654 = arith.constant 1 : i32
      scf.for %parallel_loop3A_704 = %parallel_loop3A_652 to %parallel_loop3A_653 step %parallel_loop3A_654  : i32 {
        %parallel_loop3A_705 = arith.constant 16 : i32
        %parallel_loop3A_706 = arith.muli %parallel_loop3A_704, %parallel_loop3A_705 : i32
        %parallel_loop3A_707 = tpu.assume_multiple %parallel_loop3A_706, 16 : i32
        %parallel_loop3A_708 = arith.constant 1 : i32
        %parallel_loop3A_709 = arith.index_cast %parallel_loop3A_708 : i32 to index
        %parallel_loop3A_710 = arith.index_cast %parallel_loop3A_707 : i32 to index
        %parallel_loop3A_711 = tpu.vector_load %arg8[%parallel_loop3A_709, %parallel_loop3A_710] {strides = array<i32>} : memref<2x16384xf32, #tpu.memory_space<vmem>>, vector<1x16xf32>,
        %parallel_loop3A_712 = vector.shape_cast %parallel_loop3A_711 : vector<1x16xf32> to vector<16xf32>
        %parallel_loop3A_713 = arith.addf %parallel_loop3A_712, %get3A_651 : vector<16xf32>
        %parallel_loop3A_714 = arith.constant 1 : i32
        %parallel_loop3A_715 = arith.index_cast %parallel_loop3A_714 : i32 to index
        %parallel_loop3A_716 = arith.index_cast %parallel_loop3A_707 : i32 to index
        %parallel_loop3A_717 = tpu.vector_load %arg8[%parallel_loop3A_715, %parallel_loop3A_716] {strides = array<i32>} : memref<2x16384xf32, #tpu.memory_space<vmem>>, vector<1x16xf32>,
        %parallel_loop3A_718 = vector.shape_cast %parallel_loop3A_717 : vector<1x16xf32> to vector<16xf32>
        %parallel_loop3A_719 = vector.shape_cast %parallel_loop3A_713 : vector<16xf32> to vector<1x16xf32>
        tpu.vector_store %arg8[%parallel_loop3A_715, %parallel_loop3A_716], %parallel_loop3A_719 {strides = array<i32>} : memref<2x16384xf32, #tpu.memory_space<vmem>>, vector<1x16xf32>,
      } {sc.loop_unroll_factor = 8 : i64, sc.parallel_access}
      %mul3A_655 = arith.constant 2 : i32
      %mul3A_656 = arith.muli %add3A_571, %mul3A_655 : i32
      %add3A_657 = arith.addi %mul3A_2, %mul3A_656 : i32
      %jit3A_658 = arith.constant 64 : i32
      %div3A_659 = arith.divsi %add3A_657, %jit3A_658 : i32
      %sign3A_660 = arith.constant 0 : i32
      %sign3A_661 = arith.cmpi sgt, %add3A_657, %sign3A_660 : i32
      %sign3A_662 = arith.extui %sign3A_661 : i1 to i32
      %sign3A_663 = arith.constant 0 : i32
      %sign3A_664 = arith.cmpi slt, %add3A_657, %sign3A_663 : i32
      %sign3A_665 = arith.extui %sign3A_664 : i1 to i32
      %sign3A_666 = arith.subi %sign3A_662, %sign3A_665 : i32
      %sign3A_667 = arith.constant 0 : i32
      %sign3A_668 = arith.cmpi sgt, %jit3A_658, %sign3A_667 : i32
      %sign3A_669 = arith.extui %sign3A_668 : i1 to i32
      %sign3A_670 = arith.constant 0 : i32
      %sign3A_671 = arith.cmpi slt, %jit3A_658, %sign3A_670 : i32
      %sign3A_672 = arith.extui %sign3A_671 : i1 to i32
      %sign3A_673 = arith.subi %sign3A_669, %sign3A_672 : i32
      %ne3A_674 = arith.cmpi ne, %sign3A_666, %sign3A_673 : i32
      %rem3A_675 = arith.remsi %add3A_657, %jit3A_658 : i32
      %ne3A_676 = arith.constant 0 : i32
      %ne3A_677 = arith.cmpi ne, %rem3A_675, %ne3A_676 : i32
      %and3A_678 = arith.andi %ne3A_674, %ne3A_677 : i1
      %sub3A_679 = arith.constant 1 : i32
      %sub3A_680 = arith.subi %div3A_659, %sub3A_679 : i32
      %select_n3A_681 = arith.select %and3A_678, %sub3A_680, %div3A_659 : i32
      %jit3A_682 = arith.constant 64 : i32
      %eq3A_683 = arith.constant 0 : i32
      %eq3A_684 = arith.cmpi eq, %jit3A_682, %eq3A_683 : i32
      %jit3A_685 = arith.constant 1 : i32
      %select_n3A_686 = arith.select %eq3A_684, %jit3A_685, %jit3A_682 : i32
      %rem3A_687 = arith.remsi %add3A_657, %select_n3A_686 : i32
      %ne3A_688 = arith.constant 0 : i32
      %ne3A_689 = arith.cmpi ne, %rem3A_687, %ne3A_688 : i32
      %lt3A_690 = arith.constant 0 : i32
      %lt3A_691 = arith.cmpi slt, %rem3A_687, %lt3A_690 : i32
      %lt3A_692 = arith.constant 0 : i32
      %lt3A_693 = arith.cmpi slt, %select_n3A_686, %lt3A_692 : i32
      %ne3A_694 = arith.xori %lt3A_691, %lt3A_693 : i1
      %and3A_695 = arith.andi %ne3A_694, %ne3A_689 : i1
      %add3A_696 = arith.addi %rem3A_687, %select_n3A_686 : i32
      %select_n3A_697 = arith.select %and3A_695, %add3A_696, %rem3A_687 : i32
      %dma_start3A_698 = arith.constant 0 : i32
      %dma_start3A_699 = tpu.memref_slice %arg4[%select_n3A_681, %select_n3A_697, %dma_start3A_698] : memref<100x64x16384xf32, #tpu.memory_space<hbm>> -> memref<1x2x16384xf32, #tpu.memory_space<hbm>>
      %dma_start3A_700 = tpu.memref_squeeze %dma_start3A_699 : memref<1x2x16384xf32, #tpu.memory_space<hbm>> -> memref<2x16384xf32, #tpu.memory_space<hbm>>
      %dma_start3A_701 = arith.constant 0 : i32
      %dma_start3A_702 = tpu.memref_slice %arg4[%select_n3A_681, %select_n3A_697, %dma_start3A_701] : memref<100x64x16384xf32, #tpu.memory_space<hbm>> -> memref<1x2x16384xf32, #tpu.memory_space<hbm>>
      %dma_start3A_703 = tpu.memref_squeeze %dma_start3A_702 : memref<1x2x16384xf32, #tpu.memory_space<hbm>> -> memref<2x16384xf32, #tpu.memory_space<hbm>>
      tpu.enqueue_dma source(%arg8 : memref<2x16384xf32, #tpu.memory_space<vmem>>) target(%dma_start3A_703 : memref<2x16384xf32, #tpu.memory_space<hbm>>) target_semaphore(%arg14 : memref<!tpu.dma_semaphore, #tpu.memory_space<semaphore_mem>>)
    }
    %scan3A_44 = arith.constant 33 : i32
    %add3A_45 = arith.constant 198 : i32
    %add3A_46 = arith.addi %mul3A_2, %add3A_45 : i32
    %jit3A_47 = arith.constant 64 : i32
    %div3A_48 = arith.divsi %add3A_46, %jit3A_47 : i32
    %sign3A_49 = arith.constant 0 : i32
    %sign3A_50 = arith.cmpi sgt, %add3A_46, %sign3A_49 : i32
    %sign3A_51 = arith.extui %sign3A_50 : i1 to i32
    %sign3A_52 = arith.constant 0 : i32
    %sign3A_53 = arith.cmpi slt, %add3A_46, %sign3A_52 : i32
    %sign3A_54 = arith.extui %sign3A_53 : i1 to i32
    %sign3A_55 = arith.subi %sign3A_51, %sign3A_54 : i32
    %sign3A_56 = arith.constant 0 : i32
    %sign3A_57 = arith.cmpi sgt, %jit3A_47, %sign3A_56 : i32
    %sign3A_58 = arith.extui %sign3A_57 : i1 to i32
    %sign3A_59 = arith.constant 0 : i32
    %sign3A_60 = arith.cmpi slt, %jit3A_47, %sign3A_59 : i32
    %sign3A_61 = arith.extui %sign3A_60 : i1 to i32
    %sign3A_62 = arith.subi %sign3A_58, %sign3A_61 : i32
    %ne3A_63 = arith.cmpi ne, %sign3A_55, %sign3A_62 : i32
    %rem3A_64 = arith.remsi %add3A_46, %jit3A_47 : i32
    %ne3A_65 = arith.constant 0 : i32
    %ne3A_66 = arith.cmpi ne, %rem3A_64, %ne3A_65 : i32
    %and3A_67 = arith.andi %ne3A_63, %ne3A_66 : i1
    %sub3A_68 = arith.constant 1 : i32
    %sub3A_69 = arith.subi %div3A_48, %sub3A_68 : i32
    %select_n3A_70 = arith.select %and3A_67, %sub3A_69, %div3A_48 : i32
    %jit3A_71 = arith.constant 64 : i32
    %eq3A_72 = arith.constant 0 : i32
    %eq3A_73 = arith.cmpi eq, %jit3A_71, %eq3A_72 : i32
    %jit3A_74 = arith.constant 1 : i32
    %select_n3A_75 = arith.select %eq3A_73, %jit3A_74, %jit3A_71 : i32
    %rem3A_76 = arith.remsi %add3A_46, %select_n3A_75 : i32
    %ne3A_77 = arith.constant 0 : i32
    %ne3A_78 = arith.cmpi ne, %rem3A_76, %ne3A_77 : i32
    %lt3A_79 = arith.constant 0 : i32
    %lt3A_80 = arith.cmpi slt, %rem3A_76, %lt3A_79 : i32
    %lt3A_81 = arith.constant 0 : i32
    %lt3A_82 = arith.cmpi slt, %select_n3A_75, %lt3A_81 : i32
    %ne3A_83 = arith.xori %lt3A_80, %lt3A_82 : i1
    %and3A_84 = arith.andi %ne3A_83, %ne3A_78 : i1
    %add3A_85 = arith.addi %rem3A_76, %select_n3A_75 : i32
    %select_n3A_86 = arith.select %and3A_84, %add3A_85, %rem3A_76 : i32
    %dma_wait3A = arith.constant 0 : i32
    %dma_wait3A_87 = tpu.memref_slice %arg2[%select_n3A_70, %select_n3A_86, %dma_wait3A] : memref<100x64x16384xf32, #tpu.memory_space<hbm>> -> memref<1x2x16384xf32, #tpu.memory_space<hbm>>
    %dma_wait3A_88 = tpu.memref_squeeze %dma_wait3A_87 : memref<1x2x16384xf32, #tpu.memory_space<hbm>> -> memref<2x16384xf32, #tpu.memory_space<hbm>>
    %dma_wait3A_89 = arith.constant 0 : i32
    %dma_wait3A_90 = tpu.memref_slice %arg2[%select_n3A_70, %select_n3A_86, %dma_wait3A_89] : memref<100x64x16384xf32, #tpu.memory_space<hbm>> -> memref<1x2x16384xf32, #tpu.memory_space<hbm>>
    %dma_wait3A_91 = tpu.memref_squeeze %dma_wait3A_90 : memref<1x2x16384xf32, #tpu.memory_space<hbm>> -> memref<2x16384xf32, #tpu.memory_space<hbm>>
    tpu.wait_dma2 semaphore(%arg9 : memref<!tpu.dma_semaphore, #tpu.memory_space<semaphore_mem>>) src(%dma_wait3A_91 : memref<2x16384xf32, #tpu.memory_space<hbm>>) dst(%arg6 : memref<2x16384xf32, #tpu.memory_space<vmem>>)
    %add3A_92 = arith.constant 194 : i32
    %add3A_93 = arith.addi %mul3A_2, %add3A_92 : i32
    %jit3A_94 = arith.constant 64 : i32
    %div3A_95 = arith.divsi %add3A_93, %jit3A_94 : i32
    %sign3A_96 = arith.constant 0 : i32
    %sign3A_97 = arith.cmpi sgt, %add3A_93, %sign3A_96 : i32
    %sign3A_98 = arith.extui %sign3A_97 : i1 to i32
    %sign3A_99 = arith.constant 0 : i32
    %sign3A_100 = arith.cmpi slt, %add3A_93, %sign3A_99 : i32
    %sign3A_101 = arith.extui %sign3A_100 : i1 to i32
    %sign3A_102 = arith.subi %sign3A_98, %sign3A_101 : i32
    %sign3A_103 = arith.constant 0 : i32
    %sign3A_104 = arith.cmpi sgt, %jit3A_94, %sign3A_103 : i32
    %sign3A_105 = arith.extui %sign3A_104 : i1 to i32
    %sign3A_106 = arith.constant 0 : i32
    %sign3A_107 = arith.cmpi slt, %jit3A_94, %sign3A_106 : i32
    %sign3A_108 = arith.extui %sign3A_107 : i1 to i32
    %sign3A_109 = arith.subi %sign3A_105, %sign3A_108 : i32
    %ne3A_110 = arith.cmpi ne, %sign3A_102, %sign3A_109 : i32
    %rem3A_111 = arith.remsi %add3A_93, %jit3A_94 : i32
    %ne3A_112 = arith.constant 0 : i32
    %ne3A_113 = arith.cmpi ne, %rem3A_111, %ne3A_112 : i32
    %and3A_114 = arith.andi %ne3A_110, %ne3A_113 : i1
    %sub3A_115 = arith.constant 1 : i32
    %sub3A_116 = arith.subi %div3A_95, %sub3A_115 : i32
    %select_n3A_117 = arith.select %and3A_114, %sub3A_116, %div3A_95 : i32
    %jit3A_118 = arith.constant 64 : i32
    %eq3A_119 = arith.constant 0 : i32
    %eq3A_120 = arith.cmpi eq, %jit3A_118, %eq3A_119 : i32
    %jit3A_121 = arith.constant 1 : i32
    %select_n3A_122 = arith.select %eq3A_120, %jit3A_121, %jit3A_118 : i32
    %rem3A_123 = arith.remsi %add3A_93, %select_n3A_122 : i32
    %ne3A_124 = arith.constant 0 : i32
    %ne3A_125 = arith.cmpi ne, %rem3A_123, %ne3A_124 : i32
    %lt3A_126 = arith.constant 0 : i32
    %lt3A_127 = arith.cmpi slt, %rem3A_123, %lt3A_126 : i32
    %lt3A_128 = arith.constant 0 : i32
    %lt3A_129 = arith.cmpi slt, %select_n3A_122, %lt3A_128 : i32
    %ne3A_130 = arith.xori %lt3A_127, %lt3A_129 : i1
    %and3A_131 = arith.andi %ne3A_130, %ne3A_125 : i1
    %add3A_132 = arith.addi %rem3A_123, %select_n3A_122 : i32
    %select_n3A_133 = arith.select %and3A_131, %add3A_132, %rem3A_123 : i32
    %dma_wait3A_134 = arith.constant 0 : i32
    %dma_wait3A_135 = tpu.memref_slice %arg4[%select_n3A_117, %select_n3A_133, %dma_wait3A_134] : memref<100x64x16384xf32, #tpu.memory_space<hbm>> -> memref<1x2x16384xf32, #tpu.memory_space<hbm>>
    %dma_wait3A_136 = tpu.memref_squeeze %dma_wait3A_135 : memref<1x2x16384xf32, #tpu.memory_space<hbm>> -> memref<2x16384xf32, #tpu.memory_space<hbm>>
    %dma_wait3A_137 = arith.constant 0 : i32
    %dma_wait3A_138 = tpu.memref_slice %arg4[%select_n3A_117, %select_n3A_133, %dma_wait3A_137] : memref<100x64x16384xf32, #tpu.memory_space<hbm>> -> memref<1x2x16384xf32, #tpu.memory_space<hbm>>
    %dma_wait3A_139 = tpu.memref_squeeze %dma_wait3A_138 : memref<1x2x16384xf32, #tpu.memory_space<hbm>> -> memref<2x16384xf32, #tpu.memory_space<hbm>>
    tpu.wait_dma2 semaphore(%arg13 : memref<!tpu.dma_semaphore, #tpu.memory_space<semaphore_mem>>) src(%arg7 : memref<2x16384xf32, #tpu.memory_space<vmem>>) dst(%dma_wait3A_139 : memref<2x16384xf32, #tpu.memory_space<hbm>>)
    %get3A = arith.constant 198 : i32
    %get3A_140 = arith.index_cast %get3A : i32 to index
    %get3A_141 = arith.constant 0 : index
    %get3A_142 = tpu.vector_load %arg5[%get3A_140, %get3A_141] {strides = array<i32>} : memref<200x16xf32, #tpu.memory_space<vmem>>, vector<1x16xf32>,
    %get3A_143 = vector.shape_cast %get3A_142 : vector<1x16xf32> to vector<16xf32>
    %parallel_loop3A = arith.constant 0 : i32
    %parallel_loop3A_144 = arith.constant 1024 : i32
    %parallel_loop3A_145 = arith.constant 1 : i32
    scf.for %parallel_loop3A_298 = %parallel_loop3A to %parallel_loop3A_144 step %parallel_loop3A_145  : i32 {
      %parallel_loop3A_299 = arith.constant 16 : i32
      %parallel_loop3A_300 = arith.muli %parallel_loop3A_298, %parallel_loop3A_299 : i32
      %parallel_loop3A_301 = tpu.assume_multiple %parallel_loop3A_300, 16 : i32
      %parallel_loop3A_302 = arith.constant 0 : i32
      %parallel_loop3A_303 = arith.index_cast %parallel_loop3A_302 : i32 to index
      %parallel_loop3A_304 = arith.index_cast %parallel_loop3A_301 : i32 to index
      %parallel_loop3A_305 = tpu.vector_load %arg6[%parallel_loop3A_303, %parallel_loop3A_304] {strides = array<i32>} : memref<2x16384xf32, #tpu.memory_space<vmem>>, vector<1x16xf32>,
      %parallel_loop3A_306 = vector.shape_cast %parallel_loop3A_305 : vector<1x16xf32> to vector<16xf32>
      %parallel_loop3A_307 = arith.addf %parallel_loop3A_306, %get3A_143 : vector<16xf32>
      %parallel_loop3A_308 = arith.constant 0 : i32
      %parallel_loop3A_309 = arith.index_cast %parallel_loop3A_308 : i32 to index
      %parallel_loop3A_310 = arith.index_cast %parallel_loop3A_301 : i32 to index
      %parallel_loop3A_311 = tpu.vector_load %arg6[%parallel_loop3A_309, %parallel_loop3A_310] {strides = array<i32>} : memref<2x16384xf32, #tpu.memory_space<vmem>>, vector<1x16xf32>,
      %parallel_loop3A_312 = vector.shape_cast %parallel_loop3A_311 : vector<1x16xf32> to vector<16xf32>
      %parallel_loop3A_313 = vector.shape_cast %parallel_loop3A_307 : vector<16xf32> to vector<1x16xf32>
      tpu.vector_store %arg6[%parallel_loop3A_309, %parallel_loop3A_310], %parallel_loop3A_313 {strides = array<i32>} : memref<2x16384xf32, #tpu.memory_space<vmem>>, vector<1x16xf32>,
    } {sc.loop_unroll_factor = 8 : i64, sc.parallel_access}
    %get3A_146 = arith.constant 199 : i32
    %get3A_147 = arith.index_cast %get3A_146 : i32 to index
    %get3A_148 = arith.constant 0 : index
    %get3A_149 = tpu.vector_load %arg5[%get3A_147, %get3A_148] {strides = array<i32>} : memref<200x16xf32, #tpu.memory_space<vmem>>, vector<1x16xf32>,
    %get3A_150 = vector.shape_cast %get3A_149 : vector<1x16xf32> to vector<16xf32>
    %parallel_loop3A_151 = arith.constant 0 : i32
    %parallel_loop3A_152 = arith.constant 1024 : i32
    %parallel_loop3A_153 = arith.constant 1 : i32
    scf.for %parallel_loop3A_298 = %parallel_loop3A_151 to %parallel_loop3A_152 step %parallel_loop3A_153  : i32 {
      %parallel_loop3A_299 = arith.constant 16 : i32
      %parallel_loop3A_300 = arith.muli %parallel_loop3A_298, %parallel_loop3A_299 : i32
      %parallel_loop3A_301 = tpu.assume_multiple %parallel_loop3A_300, 16 : i32
      %parallel_loop3A_302 = arith.constant 1 : i32
      %parallel_loop3A_303 = arith.index_cast %parallel_loop3A_302 : i32 to index
      %parallel_loop3A_304 = arith.index_cast %parallel_loop3A_301 : i32 to index
      %parallel_loop3A_305 = tpu.vector_load %arg6[%parallel_loop3A_303, %parallel_loop3A_304] {strides = array<i32>} : memref<2x16384xf32, #tpu.memory_space<vmem>>, vector<1x16xf32>,
      %parallel_loop3A_306 = vector.shape_cast %parallel_loop3A_305 : vector<1x16xf32> to vector<16xf32>
      %parallel_loop3A_307 = arith.addf %parallel_loop3A_306, %get3A_150 : vector<16xf32>
      %parallel_loop3A_308 = arith.constant 1 : i32
      %parallel_loop3A_309 = arith.index_cast %parallel_loop3A_308 : i32 to index
      %parallel_loop3A_310 = arith.index_cast %parallel_loop3A_301 : i32 to index
      %parallel_loop3A_311 = tpu.vector_load %arg6[%parallel_loop3A_309, %parallel_loop3A_310] {strides = array<i32>} : memref<2x16384xf32, #tpu.memory_space<vmem>>, vector<1x16xf32>,
      %parallel_loop3A_312 = vector.shape_cast %parallel_loop3A_311 : vector<1x16xf32> to vector<16xf32>
      %parallel_loop3A_313 = vector.shape_cast %parallel_loop3A_307 : vector<16xf32> to vector<1x16xf32>
      tpu.vector_store %arg6[%parallel_loop3A_309, %parallel_loop3A_310], %parallel_loop3A_313 {strides = array<i32>} : memref<2x16384xf32, #tpu.memory_space<vmem>>, vector<1x16xf32>,
    } {sc.loop_unroll_factor = 8 : i64, sc.parallel_access}
    %add3A_154 = arith.constant 198 : i32
    %add3A_155 = arith.addi %mul3A_2, %add3A_154 : i32
    %jit3A_156 = arith.constant 64 : i32
    %div3A_157 = arith.divsi %add3A_155, %jit3A_156 : i32
    %sign3A_158 = arith.constant 0 : i32
    %sign3A_159 = arith.cmpi sgt, %add3A_155, %sign3A_158 : i32
    %sign3A_160 = arith.extui %sign3A_159 : i1 to i32
    %sign3A_161 = arith.constant 0 : i32
    %sign3A_162 = arith.cmpi slt, %add3A_155, %sign3A_161 : i32
    %sign3A_163 = arith.extui %sign3A_162 : i1 to i32
    %sign3A_164 = arith.subi %sign3A_160, %sign3A_163 : i32
    %sign3A_165 = arith.constant 0 : i32
    %sign3A_166 = arith.cmpi sgt, %jit3A_156, %sign3A_165 : i32
    %sign3A_167 = arith.extui %sign3A_166 : i1 to i32
    %sign3A_168 = arith.constant 0 : i32
    %sign3A_169 = arith.cmpi slt, %jit3A_156, %sign3A_168 : i32
    %sign3A_170 = arith.extui %sign3A_169 : i1 to i32
    %sign3A_171 = arith.subi %sign3A_167, %sign3A_170 : i32
    %ne3A_172 = arith.cmpi ne, %sign3A_164, %sign3A_171 : i32
    %rem3A_173 = arith.remsi %add3A_155, %jit3A_156 : i32
    %ne3A_174 = arith.constant 0 : i32
    %ne3A_175 = arith.cmpi ne, %rem3A_173, %ne3A_174 : i32
    %and3A_176 = arith.andi %ne3A_172, %ne3A_175 : i1
    %sub3A_177 = arith.constant 1 : i32
    %sub3A_178 = arith.subi %div3A_157, %sub3A_177 : i32
    %select_n3A_179 = arith.select %and3A_176, %sub3A_178, %div3A_157 : i32
    %jit3A_180 = arith.constant 64 : i32
    %eq3A_181 = arith.constant 0 : i32
    %eq3A_182 = arith.cmpi eq, %jit3A_180, %eq3A_181 : i32
    %jit3A_183 = arith.constant 1 : i32
    %select_n3A_184 = arith.select %eq3A_182, %jit3A_183, %jit3A_180 : i32
    %rem3A_185 = arith.remsi %add3A_155, %select_n3A_184 : i32
    %ne3A_186 = arith.constant 0 : i32
    %ne3A_187 = arith.cmpi ne, %rem3A_185, %ne3A_186 : i32
    %lt3A_188 = arith.constant 0 : i32
    %lt3A_189 = arith.cmpi slt, %rem3A_185, %lt3A_188 : i32
    %lt3A_190 = arith.constant 0 : i32
    %lt3A_191 = arith.cmpi slt, %select_n3A_184, %lt3A_190 : i32
    %ne3A_192 = arith.xori %lt3A_189, %lt3A_191 : i1
    %and3A_193 = arith.andi %ne3A_192, %ne3A_187 : i1
    %add3A_194 = arith.addi %rem3A_185, %select_n3A_184 : i32
    %select_n3A_195 = arith.select %and3A_193, %add3A_194, %rem3A_185 : i32
    %dma_start3A_196 = arith.constant 0 : i32
    %dma_start3A_197 = tpu.memref_slice %arg4[%select_n3A_179, %select_n3A_195, %dma_start3A_196] : memref<100x64x16384xf32, #tpu.memory_space<hbm>> -> memref<1x2x16384xf32, #tpu.memory_space<hbm>>
    %dma_start3A_198 = tpu.memref_squeeze %dma_start3A_197 : memref<1x2x16384xf32, #tpu.memory_space<hbm>> -> memref<2x16384xf32, #tpu.memory_space<hbm>>
    %dma_start3A_199 = arith.constant 0 : i32
    %dma_start3A_200 = tpu.memref_slice %arg4[%select_n3A_179, %select_n3A_195, %dma_start3A_199] : memref<100x64x16384xf32, #tpu.memory_space<hbm>> -> memref<1x2x16384xf32, #tpu.memory_space<hbm>>
    %dma_start3A_201 = tpu.memref_squeeze %dma_start3A_200 : memref<1x2x16384xf32, #tpu.memory_space<hbm>> -> memref<2x16384xf32, #tpu.memory_space<hbm>>
    tpu.enqueue_dma source(%arg6 : memref<2x16384xf32, #tpu.memory_space<vmem>>) target(%dma_start3A_201 : memref<2x16384xf32, #tpu.memory_space<hbm>>) target_semaphore(%arg12 : memref<!tpu.dma_semaphore, #tpu.memory_space<semaphore_mem>>)
    %add3A_202 = arith.constant 196 : i32
    %add3A_203 = arith.addi %mul3A_2, %add3A_202 : i32
    %jit3A_204 = arith.constant 64 : i32
    %div3A_205 = arith.divsi %add3A_203, %jit3A_204 : i32
    %sign3A_206 = arith.constant 0 : i32
    %sign3A_207 = arith.cmpi sgt, %add3A_203, %sign3A_206 : i32
    %sign3A_208 = arith.extui %sign3A_207 : i1 to i32
    %sign3A_209 = arith.constant 0 : i32
    %sign3A_210 = arith.cmpi slt, %add3A_203, %sign3A_209 : i32
    %sign3A_211 = arith.extui %sign3A_210 : i1 to i32
    %sign3A_212 = arith.subi %sign3A_208, %sign3A_211 : i32
    %sign3A_213 = arith.constant 0 : i32
    %sign3A_214 = arith.cmpi sgt, %jit3A_204, %sign3A_213 : i32
    %sign3A_215 = arith.extui %sign3A_214 : i1 to i32
    %sign3A_216 = arith.constant 0 : i32
    %sign3A_217 = arith.cmpi slt, %jit3A_204, %sign3A_216 : i32
    %sign3A_218 = arith.extui %sign3A_217 : i1 to i32
    %sign3A_219 = arith.subi %sign3A_215, %sign3A_218 : i32
    %ne3A_220 = arith.cmpi ne, %sign3A_212, %sign3A_219 : i32
    %rem3A_221 = arith.remsi %add3A_203, %jit3A_204 : i32
    %ne3A_222 = arith.constant 0 : i32
    %ne3A_223 = arith.cmpi ne, %rem3A_221, %ne3A_222 : i32
    %and3A_224 = arith.andi %ne3A_220, %ne3A_223 : i1
    %sub3A_225 = arith.constant 1 : i32
    %sub3A_226 = arith.subi %div3A_205, %sub3A_225 : i32
    %select_n3A_227 = arith.select %and3A_224, %sub3A_226, %div3A_205 : i32
    %jit3A_228 = arith.constant 64 : i32
    %eq3A_229 = arith.constant 0 : i32
    %eq3A_230 = arith.cmpi eq, %jit3A_228, %eq3A_229 : i32
    %jit3A_231 = arith.constant 1 : i32
    %select_n3A_232 = arith.select %eq3A_230, %jit3A_231, %jit3A_228 : i32
    %rem3A_233 = arith.remsi %add3A_203, %select_n3A_232 : i32
    %ne3A_234 = arith.constant 0 : i32
    %ne3A_235 = arith.cmpi ne, %rem3A_233, %ne3A_234 : i32
    %lt3A_236 = arith.constant 0 : i32
    %lt3A_237 = arith.cmpi slt, %rem3A_233, %lt3A_236 : i32
    %lt3A_238 = arith.constant 0 : i32
    %lt3A_239 = arith.cmpi slt, %select_n3A_232, %lt3A_238 : i32
    %ne3A_240 = arith.xori %lt3A_237, %lt3A_239 : i1
    %and3A_241 = arith.andi %ne3A_240, %ne3A_235 : i1
    %add3A_242 = arith.addi %rem3A_233, %select_n3A_232 : i32
    %select_n3A_243 = arith.select %and3A_241, %add3A_242, %rem3A_233 : i32
    %dma_wait3A_244 = arith.constant 0 : i32
    %dma_wait3A_245 = tpu.memref_slice %arg4[%select_n3A_227, %select_n3A_243, %dma_wait3A_244] : memref<100x64x16384xf32, #tpu.memory_space<hbm>> -> memref<1x2x16384xf32, #tpu.memory_space<hbm>>
    %dma_wait3A_246 = tpu.memref_squeeze %dma_wait3A_245 : memref<1x2x16384xf32, #tpu.memory_space<hbm>> -> memref<2x16384xf32, #tpu.memory_space<hbm>>
    %dma_wait3A_247 = arith.constant 0 : i32
    %dma_wait3A_248 = tpu.memref_slice %arg4[%select_n3A_227, %select_n3A_243, %dma_wait3A_247] : memref<100x64x16384xf32, #tpu.memory_space<hbm>> -> memref<1x2x16384xf32, #tpu.memory_space<hbm>>
    %dma_wait3A_249 = tpu.memref_squeeze %dma_wait3A_248 : memref<1x2x16384xf32, #tpu.memory_space<hbm>> -> memref<2x16384xf32, #tpu.memory_space<hbm>>
    tpu.wait_dma2 semaphore(%arg14 : memref<!tpu.dma_semaphore, #tpu.memory_space<semaphore_mem>>) src(%arg8 : memref<2x16384xf32, #tpu.memory_space<vmem>>) dst(%dma_wait3A_249 : memref<2x16384xf32, #tpu.memory_space<hbm>>)
    %add3A_250 = arith.constant 198 : i32
    %add3A_251 = arith.addi %mul3A_2, %add3A_250 : i32
    %jit3A_252 = arith.constant 64 : i32
    %div3A_253 = arith.divsi %add3A_251, %jit3A_252 : i32
    %sign3A_254 = arith.constant 0 : i32
    %sign3A_255 = arith.cmpi sgt, %add3A_251, %sign3A_254 : i32
    %sign3A_256 = arith.extui %sign3A_255 : i1 to i32
    %sign3A_257 = arith.constant 0 : i32
    %sign3A_258 = arith.cmpi slt, %add3A_251, %sign3A_257 : i32
    %sign3A_259 = arith.extui %sign3A_258 : i1 to i32
    %sign3A_260 = arith.subi %sign3A_256, %sign3A_259 : i32
    %sign3A_261 = arith.constant 0 : i32
    %sign3A_262 = arith.cmpi sgt, %jit3A_252, %sign3A_261 : i32
    %sign3A_263 = arith.extui %sign3A_262 : i1 to i32
    %sign3A_264 = arith.constant 0 : i32
    %sign3A_265 = arith.cmpi slt, %jit3A_252, %sign3A_264 : i32
    %sign3A_266 = arith.extui %sign3A_265 : i1 to i32
    %sign3A_267 = arith.subi %sign3A_263, %sign3A_266 : i32
    %ne3A_268 = arith.cmpi ne, %sign3A_260, %sign3A_267 : i32
    %rem3A_269 = arith.remsi %add3A_251, %jit3A_252 : i32
    %ne3A_270 = arith.constant 0 : i32
    %ne3A_271 = arith.cmpi ne, %rem3A_269, %ne3A_270 : i32
    %and3A_272 = arith.andi %ne3A_268, %ne3A_271 : i1
    %sub3A_273 = arith.constant 1 : i32
    %sub3A_274 = arith.subi %div3A_253, %sub3A_273 : i32
    %select_n3A_275 = arith.select %and3A_272, %sub3A_274, %div3A_253 : i32
    %jit3A_276 = arith.constant 64 : i32
    %eq3A_277 = arith.constant 0 : i32
    %eq3A_278 = arith.cmpi eq, %jit3A_276, %eq3A_277 : i32
    %jit3A_279 = arith.constant 1 : i32
    %select_n3A_280 = arith.select %eq3A_278, %jit3A_279, %jit3A_276 : i32
    %rem3A_281 = arith.remsi %add3A_251, %select_n3A_280 : i32
    %ne3A_282 = arith.constant 0 : i32
    %ne3A_283 = arith.cmpi ne, %rem3A_281, %ne3A_282 : i32
    %lt3A_284 = arith.constant 0 : i32
    %lt3A_285 = arith.cmpi slt, %rem3A_281, %lt3A_284 : i32
    %lt3A_286 = arith.constant 0 : i32
    %lt3A_287 = arith.cmpi slt, %select_n3A_280, %lt3A_286 : i32
    %ne3A_288 = arith.xori %lt3A_285, %lt3A_287 : i1
    %and3A_289 = arith.andi %ne3A_288, %ne3A_283 : i1
    %add3A_290 = arith.addi %rem3A_281, %select_n3A_280 : i32
    %select_n3A_291 = arith.select %and3A_289, %add3A_290, %rem3A_281 : i32
    %dma_wait3A_292 = arith.constant 0 : i32
    %dma_wait3A_293 = tpu.memref_slice %arg4[%select_n3A_275, %select_n3A_291, %dma_wait3A_292] : memref<100x64x16384xf32, #tpu.memory_space<hbm>> -> memref<1x2x16384xf32, #tpu.memory_space<hbm>>
    %dma_wait3A_294 = tpu.memref_squeeze %dma_wait3A_293 : memref<1x2x16384xf32, #tpu.memory_space<hbm>> -> memref<2x16384xf32, #tpu.memory_space<hbm>>
    %dma_wait3A_295 = arith.constant 0 : i32
    %dma_wait3A_296 = tpu.memref_slice %arg4[%select_n3A_275, %select_n3A_291, %dma_wait3A_295] : memref<100x64x16384xf32, #tpu.memory_space<hbm>> -> memref<1x2x16384xf32, #tpu.memory_space<hbm>>
    %dma_wait3A_297 = tpu.memref_squeeze %dma_wait3A_296 : memref<1x2x16384xf32, #tpu.memory_space<hbm>> -> memref<2x16384xf32, #tpu.memory_space<hbm>>
    tpu.wait_dma2 semaphore(%arg12 : memref<!tpu.dma_semaphore, #tpu.memory_space<semaphore_mem>>) src(%arg6 : memref<2x16384xf32, #tpu.memory_space<vmem>>) dst(%dma_wait3A_297 : memref<2x16384xf32, #tpu.memory_space<hbm>>)
    return
  }
}

</mosaic_0001>

<sc_bundles>
// kernel: kernel.3.cloned.1.call-start
scs
__scs_entry_jumppad:
0x0: {  	(pc) =	sbr.rel $0x88, $3  }
0x1: {  	(tag) =	ssettag $0x0;
	lr =	simm.s32 $0x1  }
0x2: {  	[smem:$0x3F9F] =	sst lr;
	_ =	strace $0xD0000000  }
0x3: {  	_ = 	snop  }
0x4: {  	_ = 	snop  }
0x5: {  	_ = 	snop  }
0x6: {  	_ = 	snop  }
0x7: {  	_ = 	snop  }
__scs_overlays_trampoline_lowered:
0x8: {  	[smem:$0x3FAE] =	sst s0  }
0x9: {  	[smem:$0x3FAF] =	sst s1  }
0xa: {  	[smem:$0x3FB0] =	sst s2  }
0xb: {  	[smem:$0x3FB1] =	sst s3  }
0xc: {  	[smem:$0x3FB2] =	sst s4  }
0xd: {  	[smem:$0x3FB3] =	sst s5  }
0xe: {  	[smem:$0x3FB4] =	sst s6  }
0xf: {  	[smem:$0x3FB5] =	sst s7  }
0x10: {  	[smem:$0x3FB6] =	sst s8  }
0x11: {  	[smem:$0x3FB7] =	sst s9;
	s0 =	simm.s32 @!p0 $0x0  }
0x12: {  	s1 =	sld [smem:$0x3F9D];
	s0 =	simm.s32 @p0 $0x1  }
0x13: {  	[smem:$0x3FB8] =	sst s0;
	s0 =	simm.s32 @!p1 $0x0  }
0x14: {  	s2 =	sld [smem:$0x3F9C];
	s0 =	simm.s32 @p1 $0x1  }
0x15: {  	[smem:$0x3FB9] =	sst s0;
	s0 =	simm.s32 @!p2 $0x0  }
0x16: {  	s3 =	sld [smem:$0x3FDB];
	s0 =	simm.s32 @p2 $0x1  }
0x17: {  	s4 =	simm.s32 $0x1BF5;
	[smem:$0x3FBB] =	sst s0  }
0x18: {  	s0 =	sld [smem:$0x3F9E];
	_ =	swait.ge [sflag:s4], $0x0  }
0x19: {  	s7 =	sld [smem:$0x3F9F]  }
0x1a: {  	s8 =	sadd.s32 $0xFFFFE003, lr  }
0x1b: {  	s9 =	sadd.s32 $0xFFFFFEF7, lr;
	s5 =	simm.s32 $0xFFFFFFFF;
	p2 =	slt.u32 s8, $0xFFFFF086  }
0x1c: {  	p1 =	slt.u32 s9, $0xF7A;
	s5 =	simm.s32 @!p2 $0x0  }
0x1d: {  	s5 =	simm.s32 @p1 $0x1;
	p0 =	seq.s32 s7, s2  }
0x1e: {  	s7 =	smul.u32 @!p0 $0xF7A, s2;
	p2 =	seq.s32 @!p0 s5, $0x0  }
0x1f: {  	s9 =	smul.u32 $0xF7A, s1;
	s8 =	simm.s32 @!p0 $0x1BF5;
	p2 =	por !p2, p0  }
0x20: {  	[sflag:s8] =	ssyncset.s32 @!p0 $0xFFFFF086;
	s6 =	sadd.s32 @!p0 s3, s7;
	s7 =	simm.s32 @!p0 $0x108  }
0x21: {  	s3 =	sadd.s32 s3, s9;
	s6 =	sadd.s32 @!p0 $0x88, s6;
	s7 =	simm.s32 @p2 $0x1082  }
0x22: {  	[simem:s7], [sflag:s8] =	dma.local @!p0 [hbm:s6], $0xF7A  }
0x23: {  	s9 =	sor.u32 $0xD0000000, s2;
	s6 =	simm.s32 $0x108;
	_ =	swait.ge @!p0 [sflag:s8], $0x0  }
0x24: {  	s3 =	sadd.s32 $0x88, s3;
	s6 =	simm.s32 @!p1 $0x1082;
	[sflag:s4] =	ssyncset.s32 $0xFFFFF086  }
0x25: {  	[simem:s6], [sflag:s4] =	dma.local [hbm:s3], $0xF7A  }
0x26: {  	[smem:$0x3F9F] =	sst s1;
	(tag) =	ssettag s2;
	_ =	strace s9  }
0x27: {  	s1 =	sld [smem:$0x3FAF]  }
0x28: {  	s2 =	sld [smem:$0x3FB0]  }
0x29: {  	s4 =	sld [smem:$0x3FB2]  }
0x2a: {  	p0 =	seq.s32 s5, $0x0;
	s5 =	sld [smem:$0x3FB3]  }
0x2b: {  	s6 =	sld [smem:$0x3FB4]  }
0x2c: {  	s7 =	sld [smem:$0x3FB5]  }
0x2d: {  	s3 =	simm.s32 $0x108;
	s8 =	sld [smem:$0x3FB6]  }
0x2e: {  	s3 =	simm.s32 @!p0 $0x1082;
	s9 =	sld [smem:$0x3FB7]  }
0x2f: {  	lr =	sadd.s32 s0, s3;
	s0 =	sld [smem:$0x3FAE]  }
0x30: {  	s3 =	sld [smem:$0x3FB1]  }
0x31: {  	[smem:$0x3FBA] =	sst s10  }
0x32: {  	s10 =	sld [smem:$0x3FB8];
	_ =	sdelay $0x3  }
0x33: {  	p0 =	seq.s32 s10, $0x1;
	s10 =	sld [smem:$0x3FBA];
	_ =	sdelay $0x3  }
0x34: {  	[smem:$0x3FBA] =	sst s10  }
0x35: {  	s10 =	sld [smem:$0x3FB9];
	_ =	sdelay $0x3  }
0x36: {  	p1 =	seq.s32 s10, $0x1;
	s10 =	sld [smem:$0x3FBA];
	_ =	sdelay $0x3  }
0x37: {  	[smem:$0x3FBA] =	sst s10  }
0x38: {  	s10 =	sld [smem:$0x3FBB]  }
0x39: {  	_ = 	snop;
	(pc) =	sbr.ind lr, $3  }
0x3a: {  	_ = 	snop  }
0x3b: {  	_ = 	snop  }
0x3c: {  	p2 =	seq.s32 s10, $0x1;
	s10 =	sld [smem:$0x3FBA]  }
0x3d: {  	_ =	shalt  }
0x3e: {  	_ =	shalt  }
0x3f: {  	_ =	shalt  }
0x40: {  	_ =	shalt  }
0x41: {  	_ =	shalt  }
0x42: {  	_ =	shalt  }
0x43: {  	_ =	shalt  }
0x44: {  	_ =	shalt  }
0x45: {  	_ =	shalt  }
0x46: {  	_ =	shalt  }
0x47: {  	_ =	shalt  }
0x48: {  	_ =	shalt  }
0x49: {  	_ =	shalt  }
0x4a: {  	_ =	shalt  }
0x4b: {  	_ =	shalt  }
0x4c: {  	_ =	shalt  }
0x4d: {  	_ =	shalt  }
0x4e: {  	_ =	shalt  }
0x4f: {  	_ =	shalt  }
0x50: {  	_ =	shalt  }
0x51: {  	_ =	shalt  }
0x52: {  	_ =	shalt  }
0x53: {  	_ =	shalt  }
0x54: {  	_ =	shalt  }
0x55: {  	_ =	shalt  }
0x56: {  	_ =	shalt  }
0x57: {  	_ =	shalt  }
0x58: {  	_ =	shalt  }
0x59: {  	_ =	shalt  }
0x5a: {  	_ =	shalt  }
0x5b: {  	_ =	shalt  }
0x5c: {  	_ =	shalt  }
0x5d: {  	_ =	shalt  }
0x5e: {  	_ =	shalt  }
0x5f: {  	_ =	shalt  }
0x60: {  	_ =	shalt  }
0x61: {  	_ =	shalt  }
0x62: {  	_ =	shalt  }
0x63: {  	_ =	shalt  }
0x64: {  	_ =	shalt  }
0x65: {  	_ =	shalt  }
0x66: {  	_ =	shalt  }
0x67: {  	_ =	shalt  }
0x68: {  	_ =	shalt  }
0x69: {  	_ =	shalt  }
0x6a: {  	_ =	shalt  }
0x6b: {  	_ =	shalt  }
0x6c: {  	_ =	shalt  }
0x6d: {  	_ =	shalt  }
0x6e: {  	_ =	shalt  }
0x6f: {  	_ =	shalt  }
0x70: {  	_ =	shalt  }
0x71: {  	_ =	shalt  }
0x72: {  	_ =	shalt  }
0x73: {  	_ =	shalt  }
0x74: {  	_ =	shalt  }
0x75: {  	_ =	shalt  }
0x76: {  	_ =	shalt  }
0x77: {  	_ =	shalt  }
0x78: {  	_ =	shalt  }
0x79: {  	_ =	shalt  }
0x7a: {  	_ =	shalt  }
0x7b: {  	_ =	shalt  }
0x7c: {  	_ =	shalt  }
0x7d: {  	_ =	shalt  }
0x7e: {  	_ =	shalt  }
0x7f: {  	_ =	shalt  }
0x80: {  	_ =	shalt  }
0x81: {  	_ =	shalt  }
0x82: {  	_ =	shalt  }
0x83: {  	_ =	shalt  }
0x84: {  	_ =	shalt  }
0x85: {  	_ =	shalt  }
0x86: {  	_ =	shalt  }
0x87: {  	_ =	shalt  }
.Lfunc_end0:
.L_simem_size_0:
called_computation_lowered:
.L_overlay_start_0:
0x88: {  	s2 =	sld [smem:$0x3FD9]  }
0x89: {  	s3 =	sld [smem:$0x3FFE];
	_ =	sdelay $0x1  }
0x8a: {  	s1 =	srdreg.scid  }
0x8b: {  	s0 =	sand.u32 $0x1, s1  }
0x8c: {  	s17 =	sshll.u32 s0, $0xA;
	s2 =	sadd.s32 s3, s2  }
0x8d: {  	s2 =	sadd.s32 s2, s17  }
0x8e: {  	[smem:$0x3FC6] =	sst s2  }
0x8f: {  	_ = 	snop  }
0x90: {  	s2 =	sld [smem:$0x3FC9]  }
0x91: {  	s18 =	sld [smem:$0x3FD0];
	(tm) =	ssettm $0x1  }
0x92: {  	s4 =	sld [smem:$0x3FFB];
	_ =	sdelay $0x3  }
0x93: {  	_ =	strace s4  }
0x94: {  	s4 =	sld [smem:$0x3FFC];
	_ =	sdelay $0x3  }
0x95: {  	_ =	strace s4  }
0x96: {  	s4 =	sld [smem:$0x3FFD];
	_ =	sdelay $0x3  }
0x97: {  	_ =	strace s4  }
0x98: {  	_ =	strace $0x8FFFFFFF  }
0x99: {  	s19 =	sld [smem:$0x3FDB];
	_ =	sdelay $0x1  }
0x9a: {  	s5 =	simm.s32 $_scs_section_size  }
0x9b: {  	s6 =	simm.s32 $_size__tile_overlayer_lowered;
	s7 =	simm.s32 $_tile_overlayer_lowered  }
0x9c: {  	s22 =	simm.s32 $0x1BFF;
	s21 =	sshll.u32 s7, $0x1;
	s4 =	sadd.s32 s5, s19  }
0x9d: {  	s8 =	simm.s32 $0x0;
	s20 =	sshll.u32 s6, $0x1;
	s6 =	sadd.s32 s21, s4  }
0x9e: {  	[timem:s8], [sflag:s22] =	dma.local [hbm:s6], s20  }
0x9f: {  	_ =	swait.ge [sflag:s22], s20  }
0xa0: {  	s5 =	ssub.s32 $0x0, s20;
	[sflag:s22] =	ssyncset.done $0x0  }
0xa1: {  	[sflag:s22] =	ssyncadd.s32 s5;
	_ =	sdelay $0x1  }
0xa2: {  	s23 =	simm.s32 $0x1B8B  }
0xa3: {  	_ =	swait.ge [sflag:s23], $0x1  }
0xa4: {  	[sflag:s23] =	ssyncset.done $0x0  }
0xa5: {  	s25 =	simm.s32 $0x1B8E;
	s24 =	sld [smem:$0x3FFE];
	[sflag:s23] =	ssyncadd.s32 $0xFFFFFFFF  }
0xa6: {  	s26 =	simm.s32 $execute0_lowered;
	[smem:$0x3FD2] =	sst s25  }
0xa7: {  	s6 =	sshll.u32 s26, $0x1;
	_ =	strace $0x80000046;
	[dreg:$0x1] =	wrdreg $0xFFFFFFFF  }
0xa8: {  	s28 =	simm.s32 $_size_execute0_lowered;
	s4 =	sadd.s32 s4, s6;
	[dreg:$0x0] =	wrdreg $0x0  }
0xa9: {  	s6 =	sshll.u32 s28, $0x1;
	[dreg:$0x2] =	wrdreg s4  }
0xaa: {  	[dreg:$0x3] =	wrdreg s6  }
0xab: {  	[dreg:$0x4] =	wrdreg $0xC0  }
0xac: {  	_ =	task [dreg:s8], $0x5FFFF  }
0xad: {  	[dreg:$0x1] =	wrdreg $0xFFFFFFFF  }
0xae: {  	[dreg:$0x0] =	wrdreg $0x60  }
0xaf: {  	[dreg:$0x2] =	wrdreg s2  }
0xb0: {  	[dreg:$0x3] =	wrdreg s24  }
0xb1: {  	[dreg:$0x4] =	wrdreg s18  }
0xb2: {  	[dreg:$0x5] =	wrdreg $0x9  }
0xb3: {  	_ =	task.clear_ibuf [dreg:s8], $0x6FFFF;
	_ =	strace $0x90000046  }
0xb4: {  	s29 =	simm.s32 $0x9;
	_ =	strace $0x80000048  }
0xb5: {  	_ =	swait.ge [sflag:s29], $0x1  }
0xb6: {  	[sflag:s29] =	ssyncadd.s32 $0xFFFFFFFF  }
0xb7: {  	_ =	strace $0x90000048  }
0xb8: {  	_ =	sfence  }
0xb9: {  	s30 =	sld [smem:$0x0];
	_ =	sdelay $0x2  }
0xba: {  	s31 =	sshll.u32 s1, $0xD;
	s1 =	sshrl.u32 s1, $0x2  }
0xbb: {  	s3 =	sand.u32 $0x4000, s31;
	s1 =	sadd.s32 s1, s30  }
0xbc: {  	s0 =	sor.u32 s3, s0;
	s1 =	sshll.u32 s1, $0x11  }
0xbd: {  	s0 =	sor.u32 s1, s0  }
0xbe: {  	s0 =	sadd.s32 $0x8F2B, s0  }
0xbf: {  	[sflag:s0] =	ssyncadd.remote.s32 $0x1  }
0xc0: {  	_ =	sfence.sel $0xFFFF  }
0xc1: {  	[dreg:$0x0] =	wrdreg $0xFFFFFFFF;
	(pc) =	sbr.abs _section_cstart, $3  }
0xc2: {  	[dreg:$0x1] =	wrdreg $0xFFFFFFFF  }
0xc3: {  	_ =	task.clear_ibuf [dreg:s8], $0x2FFFF;
	_ =	strace $0x9FFFFFFF  }
0xc4: {  	(tm) =	ssettm $0x7FFFFFFF  }
0xc5: {  	_ =	shalt  }
tec
execute0_lowered:
.L_overlay_start_1:
0x0: {  	(tag) =	ssettag $0x1  }
0x1: {  	s1 =	rddreg [dreg:$0x0]  }
0x2: {  	s0 =	rddreg [dreg:$0x1];
	s2 =	srdreg.scid  }
0x3: {  	s4 =	stileid.u32;
	s3 =	rddreg [dreg:$0x2]  }
0x4: {  	s5 =	simm.s32 $0x0;
	s11 =	simm.s32 $0x7;
	s12 =	simm.s32 $0x100  }
0x5: {  	s13 =	simm.s32 $0x400;
	s14 =	simm.s32 $0x6400;
	s15 =	simm.s32 $0x1  }
0x6: {  	s16 =	simm.s32 $0xE400;
	s17 =	simm.s32 $0x2;
	s18 =	simm.s32 $0x16400  }
0x7: {  	s19 =	simm.s32 $0x3;
	s20 =	simm.s32 $0x4;
	s21 =	simm.s32 $0x5  }
0x8: {  	s22 =	simm.s32 $0x6;
	s2 =	sand.u32 $0x1, s2;
	s4 =	sshll.u32 s4, $0x1  }
0x9: {  	s23 =	simm.s32 $0x0;
	[smem:$0x7FF] =	sst s5;
	s4 =	sor.u32 s2, s4  }
0xa: {  	_ =	strace $0x80000047;
	s2 =	ssub.s32 $0x2, s2;
	s25 =	smul.u32 $0xC80, s4  }
0xb: {  	s6 =	smul.u32 $0x320000, s4;
	s26 =	sshll.u32 s4, $0x11;
	s7 =	sshrl.u32 s2, $0x1  }
0xc: {  	s5 =	smul.u32 $0xC8, s4;
	s9 =	sand.u32 $0xE0000, s26;
	s2 =	ssub.s32 s2, s7  }
0xd: {  	s0 =	sadd.s32 s25, s0;
	s8 =	sand.u32 $0x7F00000, s6;
	s30 =	sshrl.u32 s6, $0x3  }
0xe: {  	s10 =	smax.u32 s2, $0x1;
	s28 =	sor.u32 s9, s8;
	s0 =	sadd.s32 $0x400, s0  }
0xf: {  	s8 =	sor.u32 $0x6, s5;
	s31 =	sadd.s32 s3, s30;
	s29 =	sshrl.u32 s28, $0x3  }
0x10: {  	[dreg:$0x4] =	wrdreg s0;
	s9 =	sadd.s32 $0x60060, s31;
	s7 =	sadd.s32 s1, s29  }
.LBB2_1:
0x11: {  	s0 =	simm.s32 $0x0;
	s2 =	rddreg [dreg:$0x4]  }
0x12: {  	[tilespmem:s0], [sflag:$0x7] =	stream.linear.gather [hbm4b:s2+s0], $0x6400, $0x38;
	[tilespmem:$0x1E400] =	vst v63  }
0x13: {  	_ =	swait.ge [sflag:s11], $0x6400  }
0x14: {  	[sflag:s11] =	ssyncset.done $0x0  }
0x15: {  	s24 =	simm.s32 $0x0;
	[sflag:s11] =	ssyncadd.s32 $0xFFFF9C00  }
0x16: {  	[tilespmem:s14], [sflag:$0x1] =	stream.strided.gather [hbm4b:s7+s12], $0x8000, s13, s12, $0x38;
	[tilespmem:$0x1E400] =	vst v63  }
.LBB2_2:
0x17: {  	s28 =	smul.u32 $0x3, s24;
	_ =	sdelay $0x1  }
0x18: {  	_ =	swait.ge [sflag:s15], $0x8000;
	s29 =	sadd.s32 $0x1, s28  }
0x19: {  	p0 =	seq.s32 s24, $0x0;
	s26 =	smul.u32 $0xC00, s24;
	s0 =	sshll.u32 s29, $0x1  }
0x1a: {  	[sflag:s15] =	ssyncset.done $0x0;
	s2 =	simm.s32 @!p0 $0x5;
	s0 =	sadd.s32 s5, s0  }
0x1b: {  	[sflag:s15] =	ssyncadd.s32 $0xFFFF8000;
	s4 =	sshll.u32 s0, $0xB;
	s0 =	sshll.u32 s0, $0x4  }
0x1c: {  	_ =	swait.ge @!p0 [sflag:s2], $0x8000;
	s4 =	sand.u32 $0xFFFC000, s4;
	s0 =	sand.u32 $0x60, s0  }
0x1d: {  	[sflag:s2] =	ssyncset.done @!p0 $0x0;
	s25 =	sor.u32 s0, s4  }
0x1e: {  	[sflag:s2] =	ssyncadd.s32 @!p0 $0xFFFF8000;
	s2 =	sshra.s32 s26, $0x2;
	s0 =	sadd.s32 s1, s25  }
0x1f: {  	[tilespmem:s16], [sflag:$0x2] =	stream.strided.gather [hbm4b:s0+s12], $0x8000, s13, s12, $0x38;
	[tilespmem:$0x1E400] =	vst v63  }
0x20: {  	s0 =	simm.s32 $0x6440;
	v0 =	vld [tilespmem:s2+$0x0]  }
0x21: {  	v4 =	vld [tilespmem:s0+$0x30]  }
0x22: {  	v5 =	vld [tilespmem:s0+$0xFFFFFFD0]  }
0x23: {  	s26 =	smul.u32 $0x6, s24;
	v7 =	vld [tilespmem:s0+$0xFFFFFFE0]  }
0x24: {  	v3 =	vld [tilespmem:s0+$0xFFFFFFF0]  }
0x25: {  	s4 =	sadd.s32 s5, s26;
	v1 =	vld [tilespmem:s0+$0x0]  }
0x26: {  	s6 =	sshll.u32 s4, $0xB;
	v2 =	vld [tilespmem:s0+$0x10];
	v8 =	vadd.f32 v4, v0  }
0x27: {  	s4 =	sshll.u32 s4, $0x4;
	s30 =	sand.u32 $0xFFFC000, s6;
	v4 =	vld [tilespmem:s0+$0x20];
	v6 =	vadd.f32 v5, v0  }
0x28: {  	s31 =	sand.u32 $0x60, s4;
	s4 =	simm.s32 $0x0;
	s6 =	simm.s32 $0x6540;
	v5 =	vld [tilespmem:s0+$0xFFFFFFC0];
	v7 =	vadd.f32 v7, v0;
	[tilespmem:s0+$0x30] =	vst v8  }
.LBB2_3:
0x29: {  	v8 =	vld [tilespmem:s6+$0x30];
	s4 =	sadd.s32 $0x8, s4;
	[tilespmem:s0+$0xFFFFFFD0] =	vst v6;
	v3 =	vadd.f32 v3, v0  }
0x2a: {  	v6 =	vld [tilespmem:s6+$0xFFFFFFD0];
	p1 =	slt.u32 s4, $0x3F8;
	[tilespmem:s0+$0xFFFFFFE0] =	vst v7;
	v1 =	vadd.f32 v1, v0  }
0x2b: {  	v7 =	vld [tilespmem:s6+$0xFFFFFFE0];
	[tilespmem:s0+$0xFFFFFFF0] =	vst v3;
	v2 =	vadd.f32 v2, v0  }
.Ltmp0:
0x2c: {  	v3 =	vld [tilespmem:s6+$0xFFFFFFF0];
	[tilespmem:s0+$0x0] =	vst v1;
	v4 =	vadd.f32 v4, v0;
	(pc) =	sbr.rel @p1 .LBB2_3-.Ltmp0, $4  }
0x2d: {  	v1 =	vld [tilespmem:s6+$0x0];
	v5 =	vadd.f32 v5, v0;
	[tilespmem:s0+$0x10] =	vst v2  }
0x2e: {  	v2 =	vld [tilespmem:s6+$0x10];
	v8 =	vadd.f32 v8, v0;
	[tilespmem:s0+$0x20] =	vst v4  }
0x2f: {  	v6 =	vadd.f32 v6, v0;
	v4 =	vld [tilespmem:s6+$0x20];
	[tilespmem:s0+$0xFFFFFFC0] =	vst v5;
	s0 =	smov.u32 s6  }
0x30: {  	s6 =	sadd.s32 $0x100, s6;
	v5 =	vld [tilespmem:s0+$0xFFFFFFC0];
	v7 =	vadd.f32 v7, v0;
	[tilespmem:s0+$0x30] =	vst v8  }
0x31: {  	[tilespmem:s0+$0xFFFFFFD0] =	vst v6;
	v3 =	vadd.f32 v3, v0  }
0x32: {  	[tilespmem:s0+$0xFFFFFFE0] =	vst v7;
	v1 =	vadd.f32 v1, v0  }
0x33: {  	[tilespmem:s0+$0xFFFFFFF0] =	vst v3;
	v2 =	vadd.f32 v2, v0  }
0x34: {  	[tilespmem:s0+$0x0] =	vst v1;
	v1 =	vadd.f32 v4, v0  }
0x35: {  	v0 =	vadd.f32 v5, v0;
	[tilespmem:s0+$0x10] =	vst v2  }
0x36: {  	[tilespmem:s0+$0x20] =	vst v1  }
0x37: {  	[tilespmem:s0+$0xFFFFFFC0] =	vst v0  }
0x38: {  	s0 =	simm.s32 $0x64F0;
	v0 =	vld [tilespmem:s2+$0x80]  }
0x39: {  	v3 =	vld [tilespmem:s0+$0x0]  }
0x3a: {  	v5 =	vld [tilespmem:s0+$0xFFFFFFA0]  }
0x3b: {  	v7 =	vld [tilespmem:s0+$0xFFFFFFB0]  }
0x3c: {  	v4 =	vld [tilespmem:s0+$0xFFFFFFC0]  }
0x3d: {  	v2 =	vld [tilespmem:s0+$0xFFFFFFD0]  }
0x3e: {  	v1 =	vld [tilespmem:s0+$0xFFFFFFE0];
	v8 =	vadd.f32 v3, v0  }
0x3f: {  	v3 =	vld [tilespmem:s0+$0xFFFFFFF0];
	v6 =	vadd.f32 v5, v0  }
0x40: {  	s4 =	simm.s32 $0x65F0;
	s2 =	simm.s32 $0x0;
	v5 =	vld [tilespmem:s0+$0xFFFFFF90];
	v7 =	vadd.f32 v7, v0;
	[tilespmem:s0+$0x0] =	vst v8  }
.LBB2_5:
0x41: {  	v8 =	vld [tilespmem:s4+$0x0];
	s2 =	sadd.s32 $0x8, s2;
	[tilespmem:s0+$0xFFFFFFA0] =	vst v6;
	v4 =	vadd.f32 v4, v0  }
0x42: {  	v6 =	vld [tilespmem:s4+$0xFFFFFFA0];
	p1 =	slt.u32 s2, $0x3F8;
	[tilespmem:s0+$0xFFFFFFB0] =	vst v7;
	v2 =	vadd.f32 v2, v0  }
0x43: {  	v7 =	vld [tilespmem:s4+$0xFFFFFFB0];
	[tilespmem:s0+$0xFFFFFFC0] =	vst v4;
	v1 =	vadd.f32 v1, v0  }
.Ltmp1:
0x44: {  	v4 =	vld [tilespmem:s4+$0xFFFFFFC0];
	[tilespmem:s0+$0xFFFFFFD0] =	vst v2;
	v3 =	vadd.f32 v3, v0;
	(pc) =	sbr.rel @p1 .LBB2_5-.Ltmp1, $4  }
0x45: {  	v2 =	vld [tilespmem:s4+$0xFFFFFFD0];
	v5 =	vadd.f32 v5, v0;
	[tilespmem:s0+$0xFFFFFFE0] =	vst v1  }
0x46: {  	v1 =	vld [tilespmem:s4+$0xFFFFFFE0];
	v8 =	vadd.f32 v8, v0;
	[tilespmem:s0+$0xFFFFFFF0] =	vst v3  }
0x47: {  	v6 =	vadd.f32 v6, v0;
	v3 =	vld [tilespmem:s4+$0xFFFFFFF0];
	[tilespmem:s0+$0xFFFFFF90] =	vst v5;
	s0 =	smov.u32 s4  }
0x48: {  	s4 =	sadd.s32 $0x100, s4;
	v5 =	vld [tilespmem:s0+$0xFFFFFF90];
	v7 =	vadd.f32 v7, v0;
	[tilespmem:s0+$0x0] =	vst v8  }
0x49: {  	[tilespmem:s0+$0xFFFFFFA0] =	vst v6;
	v4 =	vadd.f32 v4, v0  }
0x4a: {  	[tilespmem:s0+$0xFFFFFFB0] =	vst v7;
	v2 =	vadd.f32 v2, v0  }
0x4b: {  	[tilespmem:s0+$0xFFFFFFC0] =	vst v4;
	v1 =	vadd.f32 v1, v0  }
0x4c: {  	[tilespmem:s0+$0xFFFFFFD0] =	vst v2;
	v2 =	vadd.f32 v3, v0  }
0x4d: {  	v0 =	vadd.f32 v5, v0;
	[tilespmem:s0+$0xFFFFFFE0] =	vst v1  }
0x4e: {  	s2 =	sadd.s32 s3, s31;
	[tilespmem:s0+$0xFFFFFFF0] =	vst v2  }
0x4f: {  	s4 =	sadd.s32 s30, s2;
	s30 =	sadd.s32 $0x2, s28;
	[tilespmem:s0+$0xFFFFFF90] =	vst v0  }
0x50: {  	[hbm4b:s4+s12] =	stream.strided.scatter [tilespmem:s14], [sflag:$0x4], $0x8000, s13, s12, $0x38;
	[tilespmem:$0x1E400] =	vst v63  }
0x51: {  	s6 =	sshll.u32 s30, $0x1;
	_ =	swait.ge [sflag:s17], $0x8000  }
0x52: {  	s2 =	simm.s32 @!p0 $0x6;
	s0 =	sadd.s32 s5, s6;
	[sflag:s17] =	ssyncset.done $0x0  }
0x53: {  	s4 =	sshll.u32 s0, $0xB;
	s0 =	sshll.u32 s0, $0x4;
	[sflag:s17] =	ssyncadd.s32 $0xFFFF8000  }
0x54: {  	s4 =	sand.u32 $0xFFFC000, s4;
	s0 =	sand.u32 $0x60, s0;
	_ =	swait.ge @!p0 [sflag:s2], $0x8000  }
0x55: {  	s28 =	sor.u32 s0, s4;
	[sflag:s2] =	ssyncset.done @!p0 $0x0  }
0x56: {  	s31 =	sshll.u32 s29, $0x8;
	s0 =	sadd.s32 s1, s28;
	[sflag:s2] =	ssyncadd.s32 @!p0 $0xFFFF8000  }
0x57: {  	[tilespmem:s18], [sflag:$0x3] =	stream.strided.gather [hbm4b:s0+s12], $0x8000, s13, s12, $0x38;
	[tilespmem:$0x1E400] =	vst v63  }
0x58: {  	s0 =	sand.u32 $0x3FFFFF00, s31  }
0x59: {  	s2 =	simm.s32 $0xE440;
	v0 =	vld [tilespmem:s0+$0x0]  }
0x5a: {  	v3 =	vld [tilespmem:s2+$0x30]  }
0x5b: {  	v5 =	vld [tilespmem:s2+$0xFFFFFFD0]  }
0x5c: {  	v7 =	vld [tilespmem:s2+$0xFFFFFFE0]  }
0x5d: {  	v4 =	vld [tilespmem:s2+$0xFFFFFFF0]  }
0x5e: {  	v2 =	vld [tilespmem:s2+$0x0]  }
0x5f: {  	v1 =	vld [tilespmem:s2+$0x10];
	v8 =	vadd.f32 v3, v0  }
0x60: {  	v3 =	vld [tilespmem:s2+$0x20];
	v6 =	vadd.f32 v5, v0  }
0x61: {  	s6 =	simm.s32 $0xE540;
	s4 =	simm.s32 $0x0;
	v5 =	vld [tilespmem:s2+$0xFFFFFFC0];
	v7 =	vadd.f32 v7, v0;
	[tilespmem:s2+$0x30] =	vst v8  }
.LBB2_7:
0x62: {  	v8 =	vld [tilespmem:s6+$0x30];
	s4 =	sadd.s32 $0x8, s4;
	[tilespmem:s2+$0xFFFFFFD0] =	vst v6;
	v4 =	vadd.f32 v4, v0  }
0x63: {  	v6 =	vld [tilespmem:s6+$0xFFFFFFD0];
	p0 =	slt.u32 s4, $0x3F8;
	[tilespmem:s2+$0xFFFFFFE0] =	vst v7;
	v2 =	vadd.f32 v2, v0  }
0x64: {  	v7 =	vld [tilespmem:s6+$0xFFFFFFE0];
	[tilespmem:s2+$0xFFFFFFF0] =	vst v4;
	v1 =	vadd.f32 v1, v0  }
.Ltmp2:
0x65: {  	v4 =	vld [tilespmem:s6+$0xFFFFFFF0];
	[tilespmem:s2+$0x0] =	vst v2;
	v3 =	vadd.f32 v3, v0;
	(pc) =	sbr.rel @p0 .LBB2_7-.Ltmp2, $4  }
0x66: {  	v2 =	vld [tilespmem:s6+$0x0];
	v5 =	vadd.f32 v5, v0;
	[tilespmem:s2+$0x10] =	vst v1  }
0x67: {  	v1 =	vld [tilespmem:s6+$0x10];
	v8 =	vadd.f32 v8, v0;
	[tilespmem:s2+$0x20] =	vst v3  }
0x68: {  	v6 =	vadd.f32 v6, v0;
	v3 =	vld [tilespmem:s6+$0x20];
	[tilespmem:s2+$0xFFFFFFC0] =	vst v5;
	s2 =	smov.u32 s6  }
0x69: {  	s6 =	sadd.s32 $0x100, s6;
	v5 =	vld [tilespmem:s2+$0xFFFFFFC0];
	v7 =	vadd.f32 v7, v0;
	[tilespmem:s2+$0x30] =	vst v8  }
0x6a: {  	[tilespmem:s2+$0xFFFFFFD0] =	vst v6;
	v4 =	vadd.f32 v4, v0  }
0x6b: {  	[tilespmem:s2+$0xFFFFFFE0] =	vst v7;
	v2 =	vadd.f32 v2, v0  }
0x6c: {  	[tilespmem:s2+$0xFFFFFFF0] =	vst v4;
	v1 =	vadd.f32 v1, v0  }
0x6d: {  	[tilespmem:s2+$0x0] =	vst v2;
	v2 =	vadd.f32 v3, v0  }
0x6e: {  	v0 =	vadd.f32 v5, v0;
	[tilespmem:s2+$0x10] =	vst v1  }
0x6f: {  	[tilespmem:s2+$0x20] =	vst v2  }
0x70: {  	[tilespmem:s2+$0xFFFFFFC0] =	vst v0  }
0x71: {  	v0 =	vld [tilespmem:s0+$0x80];
	s0 =	simm.s32 $0xE4F0  }
0x72: {  	v3 =	vld [tilespmem:s0+$0x0]  }
0x73: {  	v5 =	vld [tilespmem:s0+$0xFFFFFFA0]  }
0x74: {  	v7 =	vld [tilespmem:s0+$0xFFFFFFB0]  }
0x75: {  	v4 =	vld [tilespmem:s0+$0xFFFFFFC0]  }
0x76: {  	v2 =	vld [tilespmem:s0+$0xFFFFFFD0]  }
0x77: {  	v1 =	vld [tilespmem:s0+$0xFFFFFFE0];
	v8 =	vadd.f32 v3, v0  }
0x78: {  	v3 =	vld [tilespmem:s0+$0xFFFFFFF0];
	v6 =	vadd.f32 v5, v0  }
0x79: {  	s4 =	simm.s32 $0xE5F0;
	s2 =	simm.s32 $0x0;
	v5 =	vld [tilespmem:s0+$0xFFFFFF90];
	v7 =	vadd.f32 v7, v0;
	[tilespmem:s0+$0x0] =	vst v8  }
.LBB2_9:
0x7a: {  	v8 =	vld [tilespmem:s4+$0x0];
	s2 =	sadd.s32 $0x8, s2;
	[tilespmem:s0+$0xFFFFFFA0] =	vst v6;
	v4 =	vadd.f32 v4, v0  }
0x7b: {  	v6 =	vld [tilespmem:s4+$0xFFFFFFA0];
	p0 =	slt.u32 s2, $0x3F8;
	[tilespmem:s0+$0xFFFFFFB0] =	vst v7;
	v2 =	vadd.f32 v2, v0  }
0x7c: {  	v7 =	vld [tilespmem:s4+$0xFFFFFFB0];
	[tilespmem:s0+$0xFFFFFFC0] =	vst v4;
	v1 =	vadd.f32 v1, v0  }
.Ltmp3:
0x7d: {  	v4 =	vld [tilespmem:s4+$0xFFFFFFC0];
	[tilespmem:s0+$0xFFFFFFD0] =	vst v2;
	v3 =	vadd.f32 v3, v0;
	(pc) =	sbr.rel @p0 .LBB2_9-.Ltmp3, $4  }
0x7e: {  	v2 =	vld [tilespmem:s4+$0xFFFFFFD0];
	v5 =	vadd.f32 v5, v0;
	[tilespmem:s0+$0xFFFFFFE0] =	vst v1  }
0x7f: {  	v1 =	vld [tilespmem:s4+$0xFFFFFFE0];
	v8 =	vadd.f32 v8, v0;
	[tilespmem:s0+$0xFFFFFFF0] =	vst v3  }
0x80: {  	v6 =	vadd.f32 v6, v0;
	v3 =	vld [tilespmem:s4+$0xFFFFFFF0];
	[tilespmem:s0+$0xFFFFFF90] =	vst v5;
	s0 =	smov.u32 s4  }
0x81: {  	s4 =	sadd.s32 $0x100, s4;
	v5 =	vld [tilespmem:s0+$0xFFFFFF90];
	v7 =	vadd.f32 v7, v0;
	[tilespmem:s0+$0x0] =	vst v8  }
0x82: {  	[tilespmem:s0+$0xFFFFFFA0] =	vst v6;
	v4 =	vadd.f32 v4, v0  }
0x83: {  	[tilespmem:s0+$0xFFFFFFB0] =	vst v7;
	v2 =	vadd.f32 v2, v0  }
0x84: {  	[tilespmem:s0+$0xFFFFFFC0] =	vst v4;
	v1 =	vadd.f32 v1, v0  }
0x85: {  	[tilespmem:s0+$0xFFFFFFD0] =	vst v2;
	v2 =	vadd.f32 v3, v0  }
0x86: {  	v0 =	vadd.f32 v5, v0;
	[tilespmem:s0+$0xFFFFFFE0] =	vst v1  }
0x87: {  	[tilespmem:s0+$0xFFFFFFF0] =	vst v2  }
0x88: {  	s25 =	sadd.s32 s3, s25;
	[tilespmem:s0+$0xFFFFFF90] =	vst v0  }
0x89: {  	[hbm4b:s25+s12] =	stream.strided.scatter [tilespmem:s16], [sflag:$0x5], $0x8000, s13, s12, $0x38;
	[tilespmem:$0x1E400] =	vst v63  }
0x8a: {  	_ =	swait.ge [sflag:s19], $0x8000  }
0x8b: {  	s29 =	sadd.s32 s26, s8;
	[sflag:s19] =	ssyncset.done $0x0  }
0x8c: {  	s2 =	sshll.u32 s29, $0x4;
	[sflag:s19] =	ssyncadd.s32 $0xFFFF8000  }
0x8d: {  	s2 =	sand.u32 $0x60, s2;
	s0 =	sshll.u32 s29, $0xB;
	_ =	swait.ge [sflag:s20], $0x8000  }
0x8e: {  	s2 =	sadd.s32 s1, s2;
	s0 =	sand.u32 $0xFFFC000, s0;
	[sflag:s20] =	ssyncset.done $0x0  }
0x8f: {  	s31 =	sshll.u32 s30, $0x8;
	s0 =	sadd.s32 s0, s2;
	[sflag:s20] =	ssyncadd.s32 $0xFFFF8000  }
0x90: {  	[tilespmem:s14], [sflag:$0x1] =	stream.strided.gather [hbm4b:s0+s12], $0x8000, s13, s12, $0x38;
	[tilespmem:$0x1E400] =	vst v63  }
0x91: {  	s0 =	sand.u32 $0x3FFFFF00, s31  }
0x92: {  	s2 =	simm.s32 $0x16440;
	v0 =	vld [tilespmem:s0+$0x0]  }
0x93: {  	v3 =	vld [tilespmem:s2+$0x30]  }
0x94: {  	v5 =	vld [tilespmem:s2+$0xFFFFFFD0]  }
0x95: {  	v7 =	vld [tilespmem:s2+$0xFFFFFFE0]  }
0x96: {  	v4 =	vld [tilespmem:s2+$0xFFFFFFF0]  }
0x97: {  	v2 =	vld [tilespmem:s2+$0x0]  }
0x98: {  	v1 =	vld [tilespmem:s2+$0x10];
	v8 =	vadd.f32 v3, v0  }
0x99: {  	v3 =	vld [tilespmem:s2+$0x20];
	v6 =	vadd.f32 v5, v0  }
0x9a: {  	s4 =	simm.s32 $0x0;
	s6 =	simm.s32 $0x16540;
	v5 =	vld [tilespmem:s2+$0xFFFFFFC0];
	v7 =	vadd.f32 v7, v0;
	[tilespmem:s2+$0x30] =	vst v8  }
.LBB2_11:
0x9b: {  	v8 =	vld [tilespmem:s6+$0x30];
	s4 =	sadd.s32 $0x8, s4;
	[tilespmem:s2+$0xFFFFFFD0] =	vst v6;
	v4 =	vadd.f32 v4, v0  }
0x9c: {  	v6 =	vld [tilespmem:s6+$0xFFFFFFD0];
	p0 =	slt.u32 s4, $0x3F8;
	[tilespmem:s2+$0xFFFFFFE0] =	vst v7;
	v2 =	vadd.f32 v2, v0  }
0x9d: {  	v7 =	vld [tilespmem:s6+$0xFFFFFFE0];
	[tilespmem:s2+$0xFFFFFFF0] =	vst v4;
	v1 =	vadd.f32 v1, v0  }
.Ltmp4:
0x9e: {  	v4 =	vld [tilespmem:s6+$0xFFFFFFF0];
	[tilespmem:s2+$0x0] =	vst v2;
	v3 =	vadd.f32 v3, v0;
	(pc) =	sbr.rel @p0 .LBB2_11-.Ltmp4, $4  }
0x9f: {  	v2 =	vld [tilespmem:s6+$0x0];
	v5 =	vadd.f32 v5, v0;
	[tilespmem:s2+$0x10] =	vst v1  }
0xa0: {  	v1 =	vld [tilespmem:s6+$0x10];
	v8 =	vadd.f32 v8, v0;
	[tilespmem:s2+$0x20] =	vst v3  }
0xa1: {  	v6 =	vadd.f32 v6, v0;
	v3 =	vld [tilespmem:s6+$0x20];
	[tilespmem:s2+$0xFFFFFFC0] =	vst v5;
	s2 =	smov.u32 s6  }
0xa2: {  	s6 =	sadd.s32 $0x100, s6;
	v5 =	vld [tilespmem:s2+$0xFFFFFFC0];
	v7 =	vadd.f32 v7, v0;
	[tilespmem:s2+$0x30] =	vst v8  }
0xa3: {  	[tilespmem:s2+$0xFFFFFFD0] =	vst v6;
	v4 =	vadd.f32 v4, v0  }
0xa4: {  	[tilespmem:s2+$0xFFFFFFE0] =	vst v7;
	v2 =	vadd.f32 v2, v0  }
0xa5: {  	[tilespmem:s2+$0xFFFFFFF0] =	vst v4;
	v1 =	vadd.f32 v1, v0  }
0xa6: {  	[tilespmem:s2+$0x0] =	vst v2;
	v2 =	vadd.f32 v3, v0  }
0xa7: {  	v0 =	vadd.f32 v5, v0;
	[tilespmem:s2+$0x10] =	vst v1  }
0xa8: {  	[tilespmem:s2+$0x20] =	vst v2  }
0xa9: {  	[tilespmem:s2+$0xFFFFFFC0] =	vst v0  }
0xaa: {  	v0 =	vld [tilespmem:s0+$0x80];
	s0 =	simm.s32 $0x164F0  }
0xab: {  	v3 =	vld [tilespmem:s0+$0x0]  }
0xac: {  	v5 =	vld [tilespmem:s0+$0xFFFFFFA0]  }
0xad: {  	v7 =	vld [tilespmem:s0+$0xFFFFFFB0]  }
0xae: {  	v4 =	vld [tilespmem:s0+$0xFFFFFFC0]  }
0xaf: {  	v2 =	vld [tilespmem:s0+$0xFFFFFFD0]  }
0xb0: {  	v1 =	vld [tilespmem:s0+$0xFFFFFFE0];
	v8 =	vadd.f32 v3, v0  }
0xb1: {  	v3 =	vld [tilespmem:s0+$0xFFFFFFF0];
	v6 =	vadd.f32 v5, v0  }
0xb2: {  	s4 =	simm.s32 $0x165F0;
	s2 =	simm.s32 $0x0;
	v5 =	vld [tilespmem:s0+$0xFFFFFF90];
	v7 =	vadd.f32 v7, v0;
	[tilespmem:s0+$0x0] =	vst v8  }
.LBB2_13:
0xb3: {  	v8 =	vld [tilespmem:s4+$0x0];
	s2 =	sadd.s32 $0x8, s2;
	[tilespmem:s0+$0xFFFFFFA0] =	vst v6;
	v4 =	vadd.f32 v4, v0  }
0xb4: {  	v6 =	vld [tilespmem:s4+$0xFFFFFFA0];
	p0 =	slt.u32 s2, $0x3F8;
	[tilespmem:s0+$0xFFFFFFB0] =	vst v7;
	v2 =	vadd.f32 v2, v0  }
0xb5: {  	v7 =	vld [tilespmem:s4+$0xFFFFFFB0];
	[tilespmem:s0+$0xFFFFFFC0] =	vst v4;
	v1 =	vadd.f32 v1, v0  }
.Ltmp5:
0xb6: {  	v4 =	vld [tilespmem:s4+$0xFFFFFFC0];
	[tilespmem:s0+$0xFFFFFFD0] =	vst v2;
	v3 =	vadd.f32 v3, v0;
	(pc) =	sbr.rel @p0 .LBB2_13-.Ltmp5, $4  }
0xb7: {  	v2 =	vld [tilespmem:s4+$0xFFFFFFD0];
	v5 =	vadd.f32 v5, v0;
	[tilespmem:s0+$0xFFFFFFE0] =	vst v1  }
0xb8: {  	v1 =	vld [tilespmem:s4+$0xFFFFFFE0];
	v8 =	vadd.f32 v8, v0;
	[tilespmem:s0+$0xFFFFFFF0] =	vst v3  }
0xb9: {  	v6 =	vadd.f32 v6, v0;
	v3 =	vld [tilespmem:s4+$0xFFFFFFF0];
	[tilespmem:s0+$0xFFFFFF90] =	vst v5;
	s0 =	smov.u32 s4  }
0xba: {  	s4 =	sadd.s32 $0x100, s4;
	v5 =	vld [tilespmem:s0+$0xFFFFFF90];
	v7 =	vadd.f32 v7, v0;
	[tilespmem:s0+$0x0] =	vst v8  }
0xbb: {  	[tilespmem:s0+$0xFFFFFFA0] =	vst v6;
	v4 =	vadd.f32 v4, v0  }
0xbc: {  	s24 =	sadd.s32 $0x1, s24;
	[tilespmem:s0+$0xFFFFFFB0] =	vst v7;
	v2 =	vadd.f32 v2, v0  }
0xbd: {  	p0 =	sne.s32 s24, $0x21;
	[tilespmem:s0+$0xFFFFFFC0] =	vst v4;
	v1 =	vadd.f32 v1, v0  }
.Ltmp6:
0xbe: {  	[tilespmem:s0+$0xFFFFFFD0] =	vst v2;
	v62 =	vadd.f32 v3, v0;
	(pc) =	sbr.rel @p0 .LBB2_2-.Ltmp6, $4  }
0xbf: {  	v63 =	vadd.f32 v5, v0;
	[tilespmem:s0+$0xFFFFFFE0] =	vst v1  }
0xc0: {  	[tilespmem:s0+$0xFFFFFFF0] =	vst v62  }
0xc1: {  	s31 =	sadd.s32 s3, s28;
	[tilespmem:s0+$0xFFFFFF90] =	vst v63  }
0xc2: {  	[hbm4b:s31+s12] =	stream.strided.scatter [tilespmem:s18], [sflag:$0x6], $0x8000, s13, s12, $0x38;
	[tilespmem:$0x1E400] =	vst v63  }
0xc3: {  	_ =	swait.ge [sflag:s15], $0x8000  }
0xc4: {  	[sflag:s15] =	ssyncset.done $0x0  }
0xc5: {  	[sflag:s15] =	ssyncadd.s32 $0xFFFF8000  }
0xc6: {  	_ =	swait.ge [sflag:s21], $0x8000  }
0xc7: {  	[sflag:s21] =	ssyncset.done $0x0  }
0xc8: {  	[sflag:s21] =	ssyncadd.s32 $0xFFFF8000  }
0xc9: {  	s0 =	simm.s32 $0x6440;
	v0 =	vld [tilespmem:$0x6300]  }
0xca: {  	v3 =	vld [tilespmem:s0+$0x30]  }
0xcb: {  	v5 =	vld [tilespmem:s0+$0xFFFFFFD0]  }
0xcc: {  	v7 =	vld [tilespmem:s0+$0xFFFFFFE0]  }
0xcd: {  	v4 =	vld [tilespmem:s0+$0xFFFFFFF0]  }
0xce: {  	v2 =	vld [tilespmem:s0+$0x0]  }
0xcf: {  	v1 =	vld [tilespmem:s0+$0x10];
	v8 =	vadd.f32 v3, v0  }
0xd0: {  	v3 =	vld [tilespmem:s0+$0x20];
	v6 =	vadd.f32 v5, v0  }
0xd1: {  	s2 =	simm.s32 $0x0;
	s4 =	simm.s32 $0x6540;
	v5 =	vld [tilespmem:s0+$0xFFFFFFC0];
	v7 =	vadd.f32 v7, v0;
	[tilespmem:s0+$0x30] =	vst v8  }
.LBB2_16:
0xd2: {  	v8 =	vld [tilespmem:s4+$0x30];
	s2 =	sadd.s32 $0x8, s2;
	[tilespmem:s0+$0xFFFFFFD0] =	vst v6;
	v4 =	vadd.f32 v4, v0  }
0xd3: {  	v6 =	vld [tilespmem:s4+$0xFFFFFFD0];
	p0 =	slt.u32 s2, $0x3F8;
	[tilespmem:s0+$0xFFFFFFE0] =	vst v7;
	v2 =	vadd.f32 v2, v0  }
0xd4: {  	v7 =	vld [tilespmem:s4+$0xFFFFFFE0];
	[tilespmem:s0+$0xFFFFFFF0] =	vst v4;
	v1 =	vadd.f32 v1, v0  }
.Ltmp7:
0xd5: {  	v4 =	vld [tilespmem:s4+$0xFFFFFFF0];
	[tilespmem:s0+$0x0] =	vst v2;
	v3 =	vadd.f32 v3, v0;
	(pc) =	sbr.rel @p0 .LBB2_16-.Ltmp7, $4  }
0xd6: {  	v2 =	vld [tilespmem:s4+$0x0];
	v5 =	vadd.f32 v5, v0;
	[tilespmem:s0+$0x10] =	vst v1  }
0xd7: {  	v1 =	vld [tilespmem:s4+$0x10];
	v8 =	vadd.f32 v8, v0;
	[tilespmem:s0+$0x20] =	vst v3  }
0xd8: {  	v6 =	vadd.f32 v6, v0;
	v3 =	vld [tilespmem:s4+$0x20];
	[tilespmem:s0+$0xFFFFFFC0] =	vst v5;
	s0 =	smov.u32 s4  }
0xd9: {  	s4 =	sadd.s32 $0x100, s4;
	v5 =	vld [tilespmem:s0+$0xFFFFFFC0];
	v7 =	vadd.f32 v7, v0;
	[tilespmem:s0+$0x30] =	vst v8  }
0xda: {  	[tilespmem:s0+$0xFFFFFFD0] =	vst v6;
	v4 =	vadd.f32 v4, v0  }
0xdb: {  	[tilespmem:s0+$0xFFFFFFE0] =	vst v7;
	v2 =	vadd.f32 v2, v0  }
0xdc: {  	[tilespmem:s0+$0xFFFFFFF0] =	vst v4;
	v1 =	vadd.f32 v1, v0  }
0xdd: {  	[tilespmem:s0+$0x0] =	vst v2;
	v2 =	vadd.f32 v3, v0  }
0xde: {  	v0 =	vadd.f32 v5, v0;
	[tilespmem:s0+$0x10] =	vst v1  }
0xdf: {  	[tilespmem:s0+$0x20] =	vst v2  }
0xe0: {  	[tilespmem:s0+$0xFFFFFFC0] =	vst v0  }
0xe1: {  	s0 =	simm.s32 $0x64F0;
	v0 =	vld [tilespmem:$0x6380]  }
0xe2: {  	v3 =	vld [tilespmem:s0+$0x0]  }
0xe3: {  	v5 =	vld [tilespmem:s0+$0xFFFFFFA0]  }
0xe4: {  	v7 =	vld [tilespmem:s0+$0xFFFFFFB0]  }
0xe5: {  	v4 =	vld [tilespmem:s0+$0xFFFFFFC0]  }
0xe6: {  	v2 =	vld [tilespmem:s0+$0xFFFFFFD0]  }
0xe7: {  	v1 =	vld [tilespmem:s0+$0xFFFFFFE0];
	v8 =	vadd.f32 v3, v0  }
0xe8: {  	v3 =	vld [tilespmem:s0+$0xFFFFFFF0];
	v6 =	vadd.f32 v5, v0  }
0xe9: {  	s2 =	simm.s32 $0x0;
	s4 =	simm.s32 $0x65F0;
	v5 =	vld [tilespmem:s0+$0xFFFFFF90];
	v7 =	vadd.f32 v7, v0;
	[tilespmem:s0+$0x0] =	vst v8  }
.LBB2_18:
0xea: {  	v8 =	vld [tilespmem:s4+$0x0];
	s2 =	sadd.s32 $0x8, s2;
	[tilespmem:s0+$0xFFFFFFA0] =	vst v6;
	v4 =	vadd.f32 v4, v0  }
0xeb: {  	v6 =	vld [tilespmem:s4+$0xFFFFFFA0];
	p0 =	slt.u32 s2, $0x3F8;
	[tilespmem:s0+$0xFFFFFFB0] =	vst v7;
	v2 =	vadd.f32 v2, v0  }
0xec: {  	v7 =	vld [tilespmem:s4+$0xFFFFFFB0];
	[tilespmem:s0+$0xFFFFFFC0] =	vst v4;
	v1 =	vadd.f32 v1, v0  }
.Ltmp8:
0xed: {  	v4 =	vld [tilespmem:s4+$0xFFFFFFC0];
	[tilespmem:s0+$0xFFFFFFD0] =	vst v2;
	v3 =	vadd.f32 v3, v0;
	(pc) =	sbr.rel @p0 .LBB2_18-.Ltmp8, $4  }
0xee: {  	v2 =	vld [tilespmem:s4+$0xFFFFFFD0];
	v5 =	vadd.f32 v5, v0;
	[tilespmem:s0+$0xFFFFFFE0] =	vst v1  }
0xef: {  	v1 =	vld [tilespmem:s4+$0xFFFFFFE0];
	v8 =	vadd.f32 v8, v0;
	[tilespmem:s0+$0xFFFFFFF0] =	vst v3  }
0xf0: {  	v6 =	vadd.f32 v6, v0;
	v3 =	vld [tilespmem:s4+$0xFFFFFFF0];
	[tilespmem:s0+$0xFFFFFF90] =	vst v5;
	s0 =	smov.u32 s4  }
0xf1: {  	s4 =	sadd.s32 $0x100, s4;
	v5 =	vld [tilespmem:s0+$0xFFFFFF90];
	v7 =	vadd.f32 v7, v0;
	[tilespmem:s0+$0x0] =	vst v8  }
0xf2: {  	[tilespmem:s0+$0xFFFFFFA0] =	vst v6;
	v4 =	vadd.f32 v4, v0  }
0xf3: {  	[tilespmem:s0+$0xFFFFFFB0] =	vst v7;
	v2 =	vadd.f32 v2, v0  }
0xf4: {  	[tilespmem:s0+$0xFFFFFFC0] =	vst v4;
	v1 =	vadd.f32 v1, v0  }
0xf5: {  	[tilespmem:s0+$0xFFFFFFD0] =	vst v2;
	v62 =	vadd.f32 v3, v0  }
0xf6: {  	v63 =	vadd.f32 v5, v0;
	[tilespmem:s0+$0xFFFFFFE0] =	vst v1  }
0xf7: {  	[tilespmem:s0+$0xFFFFFFF0] =	vst v62  }
0xf8: {  	s23 =	sadd.s32 $0x1, s23;
	[tilespmem:s0+$0xFFFFFF90] =	vst v63  }
0xf9: {  	[hbm4b:s9+s12] =	stream.strided.scatter [tilespmem:s14], [sflag:$0x4], $0x8000, s13, s12, $0x38;
	[tilespmem:$0x1E400] =	vst v63  }
0xfa: {  	p0 =	sne.s32 s23, s10;
	_ =	swait.ge [sflag:s22], $0x8000  }
.Ltmp9:
0xfb: {  	[sflag:s22] =	ssyncset.done $0x0;
	(pc) =	sbr.rel @p0 .LBB2_1-.Ltmp9, $4  }
0xfc: {  	[sflag:s22] =	ssyncadd.s32 $0xFFFF8000  }
0xfd: {  	_ =	swait.ge [sflag:s20], $0x8000  }
0xfe: {  	[sflag:s20] =	ssyncset.done $0x0  }
0xff: {  	[sflag:s20] =	ssyncadd.s32 $0xFFFF8000  }
0x100: {  	_ =	sfence.sel $0x180000  }
0x101: {  	[bflag:$0x0] =	sbarrier.arrive $0xFFFF  }
0x102: {  	_ =	strace $0x90000047  }
0x103: {  	s0 =	stileid.u32;
	[bflag:$0x2] =	sbarrier.arrive $0xFFFF  }
0x104: {  	p0 =	sne.s32 s0, $0x0;
	s0 =	rddreg [dreg:$0x3]  }
0x105: {  	s0 =	sadd.s32 @!p0 $0x100000, s0  }
0x106: {  	[sflag:s0] =	ssyncadd.tile.s32 @!p0 $0x1;
	_ =	shalt  }
.Lfunc_end2:
_tile_overlayer_lowered:
.L_overlay_start_2:
0x107: {  	(tag) =	ssettag $0x2  }
0x108: {  	s0 =	rddreg [dreg:$0x0];
	s2 =	stileid.u32  }
0x109: {  	s1 =	rddreg [dreg:$0x1];
	p0 =	sne.s32 s2, $0x0  }
0x10a: {  	s3 =	rddreg [dreg:$0x2];
	[bflag:$0x3] =	sbarrier.arrive $0xFFFF;
	s2 =	simm.s32 @!p0 $0x1C07  }
0x10b: {  	[timem:s3], [sflag:s2] =	dma.local @!p0 [hbm:s0], s1  }
0x10c: {  	s0 =	simm.s32 @!p0 $0x7  }
0x10d: {  	_ =	swait.ge @!p0 [sflag:s0], s1  }
0x10e: {  	s1 =	ssub.s32 @!p0 $0x0, s1;
	[sflag:s0] =	ssyncset.done @!p0 $0x0  }
0x10f: {  	[sflag:s0] =	ssyncadd.s32 @!p0 s1  }
0x110: {  	[bflag:$0x3] =	sbarrier.arrive $0xFFFF  }
0x111: {  	_ =	shalt  }

</sc_bundles>
